<compile_context>
chip_gen: v7x
topology: tpu7x:2x2x1
jax: 0.10.2.dev20260603
libtpu: 0.0.44.dev20260713+nightly
codegen_flags: <defaults>
</compile_context>

<pallas_src>
import functools

import jax
import jax.numpy as jnp
from jax import lax
from jax.experimental import pallas as pl
from jax.experimental.pallas import tpu as pltpu
from jax.experimental.pallas import tpu_sc as plsc

_NUM_EMBEDDINGS = 1000000
_DIM = 64
_BATCH = 16384
_HIST = 50
_B = _BATCH * _HIST
_NW = 32
_B_PER_W = _B // _NW
_CHUNK = 400
_N_CHUNKS = _B_PER_W // _CHUNK
_NBUF = 4
_N_GROUPS = _N_CHUNKS // _NBUF

_mesh = plsc.VectorSubcoreMesh(core_axis_name="c", subcore_axis_name="s")


@functools.partial(
    pl.kernel,
    mesh=_mesh,
    out_type=jax.ShapeDtypeStruct((_B, _DIM), jnp.float32),
    scratch_types=[
        [pltpu.VMEM((_CHUNK,), jnp.int32) for _ in range(_NBUF)],
        [pltpu.VMEM((_CHUNK, _DIM), jnp.float32) for _ in range(_NBUF)],
        [pltpu.SemaphoreType.DMA for _ in range(_NBUF)],
        [pltpu.SemaphoreType.DMA for _ in range(_NBUF)],
        [pltpu.SemaphoreType.DMA for _ in range(_NBUF)],
    ],
    compiler_params=pltpu.CompilerParams(use_tc_tiling_on_sc=False),
)
def _gather_rows(idx_hbm, table_hbm, out_hbm, idxs, bufs, isems, gsems, ssems):
    wid = lax.axis_index("s") * 2 + lax.axis_index("c")
    base = wid * _B_PER_W

    def i_copy(i, b):
        return pltpu.make_async_copy(
            idx_hbm.at[pl.ds(base + i * _CHUNK, _CHUNK)], idxs[b], isems[b])

    def g_copy(i, b):
        return pltpu.make_async_copy(table_hbm.at[idxs[b]], bufs[b], gsems[b])

    def s_copy(i, b):
        return pltpu.make_async_copy(
            bufs[b], out_hbm.at[pl.ds(base + i * _CHUNK, _CHUNK)], ssems[b])

    for b in range(_NBUF):
        i_copy(b, b).start()
    for b in range(2):
        i_copy(b, b).wait()
        g_copy(b, b).start()

    def step(i, k, do_sw, do_next, do_refill):
        g_copy(i, k).wait()
        s_copy(i, k).start()
        if do_next:
            if do_sw:
                s_copy(i - 2, (k - 2) % _NBUF).wait()
            i_copy(i + 2, (k + 2) % _NBUF).wait()
            g_copy(i + 2, (k + 2) % _NBUF).start()
        if do_refill:
            i_copy(i + _NBUF, k).start()

    for k in range(_NBUF):
        step(k, k, do_sw=(k >= 2), do_next=True, do_refill=True)

    def body(g, carry):
        i0 = g * _NBUF
        for k in range(_NBUF):
            step(i0 + k, k, do_sw=True, do_next=True, do_refill=True)
        return carry

    lax.fori_loop(1, _N_GROUPS - 1, body, 0)

    i0 = (_N_GROUPS - 1) * _NBUF
    for k in range(_NBUF):
        step(i0 + k, k, do_sw=(k < 2), do_next=(k < 2), do_refill=False)

    s_copy(_N_CHUNKS - 4, (_N_CHUNKS - 4) % _NBUF).wait()
    s_copy(_N_CHUNKS - 3, (_N_CHUNKS - 3) % _NBUF).wait()
    s_copy(_N_CHUNKS - 2, (_N_CHUNKS - 2) % _NBUF).wait()
    s_copy(_N_CHUNKS - 1, (_N_CHUNKS - 1) % _NBUF).wait()


def kernel(x, table):
    flat_idx = x.reshape(_B).astype(jnp.int32)
    out = _gather_rows(flat_idx, table)
    return out.reshape(_BATCH, _HIST, _DIM)

# --- scband reference (transcript-rebuilt; emitter-appended) ---
"""Pipeline reference for scband-embeddings-encoder-9079560864582 (READ-ONLY COPY).

The authoritative reference and input builder live on the scoring server;
editing this copy changes nothing except your own understanding.
"""

import jax, jax.numpy as jnp
import numpy as np

NUM_EMBEDDINGS = 1000000
EMBEDDING_DIM = 64
BATCH = 16384
HIST = 50

def setup_inputs(seed: int = 0) -> dict:
    key = jax.random.key(seed)
    k_idx, k_tab = jax.random.split(key)
    x = jax.random.randint(k_idx, (BATCH, HIST), 0, NUM_EMBEDDINGS, dtype=jnp.int64 if jax.config.jax_enable_x64 else jnp.int32)
    table = jax.random.normal(k_tab, (NUM_EMBEDDINGS, EMBEDDING_DIM), dtype=jnp.float32)
    return {"x": x, "table": table}

def reference(x, table):
    # torch.nn.Embedding forward: row gather from the embedding table
    return jnp.take(table, x, axis=0)

if __name__ == "__main__":
    import jax
    _d = setup_inputs()
    print(jax.jit(kernel)(*tuple(_d.values())))

</pallas_src>

<mosaic_0001>
#map = affine_map<(d0, d1) -> (0)>
#map1 = affine_map<(d0, d1) -> (0, 0)>
module attributes {stable_mosaic.version = 14 : i64} {
  func.func @_gather_rows(%arg0: i32, %arg1: i32, %arg2: memref<819200xi32, #tpu.memory_space<hbm>>, %arg3: memref<1000000x64xf32, #tpu.memory_space<hbm>>, %arg4: memref<819200x64xf32, #tpu.memory_space<hbm>>, %arg5: memref<400xi32, #tpu.memory_space<vmem>>, %arg6: memref<400xi32, #tpu.memory_space<vmem>>, %arg7: memref<400xi32, #tpu.memory_space<vmem>>, %arg8: memref<400xi32, #tpu.memory_space<vmem>>, %arg9: memref<400x64xf32, #tpu.memory_space<vmem>>, %arg10: memref<400x64xf32, #tpu.memory_space<vmem>>, %arg11: memref<400x64xf32, #tpu.memory_space<vmem>>, %arg12: memref<400x64xf32, #tpu.memory_space<vmem>>, %arg13: memref<!tpu.dma_semaphore, #tpu.memory_space<semaphore_mem>>, %arg14: memref<!tpu.dma_semaphore, #tpu.memory_space<semaphore_mem>>, %arg15: memref<!tpu.dma_semaphore, #tpu.memory_space<semaphore_mem>>, %arg16: memref<!tpu.dma_semaphore, #tpu.memory_space<semaphore_mem>>, %arg17: memref<!tpu.dma_semaphore, #tpu.memory_space<semaphore_mem>>, %arg18: memref<!tpu.dma_semaphore, #tpu.memory_space<semaphore_mem>>, %arg19: memref<!tpu.dma_semaphore, #tpu.memory_space<semaphore_mem>>, %arg20: memref<!tpu.dma_semaphore, #tpu.memory_space<semaphore_mem>>, %arg21: memref<!tpu.dma_semaphore, #tpu.memory_space<semaphore_mem>>, %arg22: memref<!tpu.dma_semaphore, #tpu.memory_space<semaphore_mem>>, %arg23: memref<!tpu.dma_semaphore, #tpu.memory_space<semaphore_mem>>, %arg24: memref<!tpu.dma_semaphore, #tpu.memory_space<semaphore_mem>>) attributes {dimension_semantics = [#tpu.dimension_semantics<core_parallel>, #tpu.dimension_semantics<subcore_parallel>], iteration_bounds = array<i64: 2, 16>, scalar_prefetch = 0 : i64, scratch_operands = 20 : i64, tpu.core_type = #tpu.core_type<sc_vector_subcore>, window_params = [{transform_indices = #map}, {transform_indices = #map1}, {transform_indices = #map1}]} {
    %mul3A = arith.constant 2 : i32
    %mul3A_0 = arith.muli %arg1, %mul3A : i32
    %add3A = arith.addi %mul3A_0, %arg0 : i32
    %mul3A_1 = arith.constant 25600 : i32
    %mul3A_2 = arith.muli %add3A, %mul3A_1 : i32
    %add3A_3 = arith.constant 0 : i32
    %add3A_4 = arith.addi %mul3A_2, %add3A_3 : i32
    %dma_start3A = tpu.memref_slice %arg2[%add3A_4] : memref<819200xi32, #tpu.memory_space<hbm>> -> memref<400xi32, #tpu.memory_space<hbm>>
    %dma_start3A_5 = tpu.memref_slice %arg2[%add3A_4] : memref<819200xi32, #tpu.memory_space<hbm>> -> memref<400xi32, #tpu.memory_space<hbm>>
    tpu.enqueue_dma source(%dma_start3A_5 : memref<400xi32, #tpu.memory_space<hbm>>) target(%arg5 : memref<400xi32, #tpu.memory_space<vmem>>) target_semaphore(%arg13 : memref<!tpu.dma_semaphore, #tpu.memory_space<semaphore_mem>>)
    %add3A_6 = arith.constant 400 : i32
    %add3A_7 = arith.addi %mul3A_2, %add3A_6 : i32
    %dma_start3A_8 = tpu.memref_slice %arg2[%add3A_7] : memref<819200xi32, #tpu.memory_space<hbm>> -> memref<400xi32, #tpu.memory_space<hbm>>
    %dma_start3A_9 = tpu.memref_slice %arg2[%add3A_7] : memref<819200xi32, #tpu.memory_space<hbm>> -> memref<400xi32, #tpu.memory_space<hbm>>
    tpu.enqueue_dma source(%dma_start3A_9 : memref<400xi32, #tpu.memory_space<hbm>>) target(%arg6 : memref<400xi32, #tpu.memory_space<vmem>>) target_semaphore(%arg14 : memref<!tpu.dma_semaphore, #tpu.memory_space<semaphore_mem>>)
    %add3A_10 = arith.constant 800 : i32
    %add3A_11 = arith.addi %mul3A_2, %add3A_10 : i32
    %dma_start3A_12 = tpu.memref_slice %arg2[%add3A_11] : memref<819200xi32, #tpu.memory_space<hbm>> -> memref<400xi32, #tpu.memory_space<hbm>>
    %dma_start3A_13 = tpu.memref_slice %arg2[%add3A_11] : memref<819200xi32, #tpu.memory_space<hbm>> -> memref<400xi32, #tpu.memory_space<hbm>>
    tpu.enqueue_dma source(%dma_start3A_13 : memref<400xi32, #tpu.memory_space<hbm>>) target(%arg7 : memref<400xi32, #tpu.memory_space<vmem>>) target_semaphore(%arg15 : memref<!tpu.dma_semaphore, #tpu.memory_space<semaphore_mem>>)
    %add3A_14 = arith.constant 1200 : i32
    %add3A_15 = arith.addi %mul3A_2, %add3A_14 : i32
    %dma_start3A_16 = tpu.memref_slice %arg2[%add3A_15] : memref<819200xi32, #tpu.memory_space<hbm>> -> memref<400xi32, #tpu.memory_space<hbm>>
    %dma_start3A_17 = tpu.memref_slice %arg2[%add3A_15] : memref<819200xi32, #tpu.memory_space<hbm>> -> memref<400xi32, #tpu.memory_space<hbm>>
    tpu.enqueue_dma source(%dma_start3A_17 : memref<400xi32, #tpu.memory_space<hbm>>) target(%arg8 : memref<400xi32, #tpu.memory_space<vmem>>) target_semaphore(%arg16 : memref<!tpu.dma_semaphore, #tpu.memory_space<semaphore_mem>>)
    %add3A_18 = arith.constant 0 : i32
    %add3A_19 = arith.addi %mul3A_2, %add3A_18 : i32
    %dma_wait3A = tpu.memref_slice %arg2[%add3A_19] : memref<819200xi32, #tpu.memory_space<hbm>> -> memref<400xi32, #tpu.memory_space<hbm>>
    %dma_wait3A_20 = tpu.memref_slice %arg2[%add3A_19] : memref<819200xi32, #tpu.memory_space<hbm>> -> memref<400xi32, #tpu.memory_space<hbm>>
    tpu.wait_dma2 semaphore(%arg13 : memref<!tpu.dma_semaphore, #tpu.memory_space<semaphore_mem>>) src(%dma_wait3A_20 : memref<400xi32, #tpu.memory_space<hbm>>) dst(%arg5 : memref<400xi32, #tpu.memory_space<vmem>>)
    %dma_start3A_21 = arith.constant 0 : i32
    %dma_start3A_22 = arith.constant 0 : i32
    %dma_start3A_23 = tpu.memref_slice %arg3[%dma_start3A_21, %dma_start3A_22] : memref<1000000x64xf32, #tpu.memory_space<hbm>> -> memref<1000000x64xf32, #tpu.memory_space<hbm>>
    tpu.enqueue_indirect_dma source(%dma_start3A_23 : memref<1000000x64xf32, #tpu.memory_space<hbm>>) target(%arg9 : memref<400x64xf32, #tpu.memory_space<vmem>>) offsets(%arg5 : memref<400xi32, #tpu.memory_space<vmem>>) semaphore(%arg17 : memref<!tpu.dma_semaphore, #tpu.memory_space<semaphore_mem>>)
    %add3A_24 = arith.constant 400 : i32
    %add3A_25 = arith.addi %mul3A_2, %add3A_24 : i32
    %dma_wait3A_26 = tpu.memref_slice %arg2[%add3A_25] : memref<819200xi32, #tpu.memory_space<hbm>> -> memref<400xi32, #tpu.memory_space<hbm>>
    %dma_wait3A_27 = tpu.memref_slice %arg2[%add3A_25] : memref<819200xi32, #tpu.memory_space<hbm>> -> memref<400xi32, #tpu.memory_space<hbm>>
    tpu.wait_dma2 semaphore(%arg14 : memref<!tpu.dma_semaphore, #tpu.memory_space<semaphore_mem>>) src(%dma_wait3A_27 : memref<400xi32, #tpu.memory_space<hbm>>) dst(%arg6 : memref<400xi32, #tpu.memory_space<vmem>>)
    %dma_start3A_28 = arith.constant 0 : i32
    %dma_start3A_29 = arith.constant 0 : i32
    %dma_start3A_30 = tpu.memref_slice %arg3[%dma_start3A_28, %dma_start3A_29] : memref<1000000x64xf32, #tpu.memory_space<hbm>> -> memref<1000000x64xf32, #tpu.memory_space<hbm>>
    tpu.enqueue_indirect_dma source(%dma_start3A_30 : memref<1000000x64xf32, #tpu.memory_space<hbm>>) target(%arg10 : memref<400x64xf32, #tpu.memory_space<vmem>>) offsets(%arg6 : memref<400xi32, #tpu.memory_space<vmem>>) semaphore(%arg18 : memref<!tpu.dma_semaphore, #tpu.memory_space<semaphore_mem>>)
    %dma_wait3A_31 = arith.constant 0 : i32
    %dma_wait3A_32 = arith.constant 0 : i32
    %dma_wait3A_33 = tpu.memref_slice %arg3[%dma_wait3A_31, %dma_wait3A_32] : memref<1000000x64xf32, #tpu.memory_space<hbm>> -> memref<1000000x64xf32, #tpu.memory_space<hbm>>
    tpu.wait_indirect_dma semaphore(%arg17 : memref<!tpu.dma_semaphore, #tpu.memory_space<semaphore_mem>>) src(%dma_wait3A_33 : memref<1000000x64xf32, #tpu.memory_space<hbm>>) dst(%arg9 : memref<400x64xf32, #tpu.memory_space<vmem>>)
    %add3A_34 = arith.constant 0 : i32
    %add3A_35 = arith.addi %mul3A_2, %add3A_34 : i32
    %dma_start3A_36 = arith.constant 0 : i32
    %dma_start3A_37 = tpu.memref_slice %arg4[%add3A_35, %dma_start3A_36] : memref<819200x64xf32, #tpu.memory_space<hbm>> -> memref<400x64xf32, #tpu.memory_space<hbm>>
    %dma_start3A_38 = arith.constant 0 : i32
    %dma_start3A_39 = tpu.memref_slice %arg4[%add3A_35, %dma_start3A_38] : memref<819200x64xf32, #tpu.memory_space<hbm>> -> memref<400x64xf32, #tpu.memory_space<hbm>>
    tpu.enqueue_dma source(%arg9 : memref<400x64xf32, #tpu.memory_space<vmem>>) target(%dma_start3A_39 : memref<400x64xf32, #tpu.memory_space<hbm>>) target_semaphore(%arg21 : memref<!tpu.dma_semaphore, #tpu.memory_space<semaphore_mem>>)
    %add3A_40 = arith.constant 800 : i32
    %add3A_41 = arith.addi %mul3A_2, %add3A_40 : i32
    %dma_wait3A_42 = tpu.memref_slice %arg2[%add3A_41] : memref<819200xi32, #tpu.memory_space<hbm>> -> memref<400xi32, #tpu.memory_space<hbm>>
    %dma_wait3A_43 = tpu.memref_slice %arg2[%add3A_41] : memref<819200xi32, #tpu.memory_space<hbm>> -> memref<400xi32, #tpu.memory_space<hbm>>
    tpu.wait_dma2 semaphore(%arg15 : memref<!tpu.dma_semaphore, #tpu.memory_space<semaphore_mem>>) src(%dma_wait3A_43 : memref<400xi32, #tpu.memory_space<hbm>>) dst(%arg7 : memref<400xi32, #tpu.memory_space<vmem>>)
    %dma_start3A_44 = arith.constant 0 : i32
    %dma_start3A_45 = arith.constant 0 : i32
    %dma_start3A_46 = tpu.memref_slice %arg3[%dma_start3A_44, %dma_start3A_45] : memref<1000000x64xf32, #tpu.memory_space<hbm>> -> memref<1000000x64xf32, #tpu.memory_space<hbm>>
    tpu.enqueue_indirect_dma source(%dma_start3A_46 : memref<1000000x64xf32, #tpu.memory_space<hbm>>) target(%arg11 : memref<400x64xf32, #tpu.memory_space<vmem>>) offsets(%arg7 : memref<400xi32, #tpu.memory_space<vmem>>) semaphore(%arg19 : memref<!tpu.dma_semaphore, #tpu.memory_space<semaphore_mem>>)
    %add3A_47 = arith.constant 1600 : i32
    %add3A_48 = arith.addi %mul3A_2, %add3A_47 : i32
    %dma_start3A_49 = tpu.memref_slice %arg2[%add3A_48] : memref<819200xi32, #tpu.memory_space<hbm>> -> memref<400xi32, #tpu.memory_space<hbm>>
    %dma_start3A_50 = tpu.memref_slice %arg2[%add3A_48] : memref<819200xi32, #tpu.memory_space<hbm>> -> memref<400xi32, #tpu.memory_space<hbm>>
    tpu.enqueue_dma source(%dma_start3A_50 : memref<400xi32, #tpu.memory_space<hbm>>) target(%arg5 : memref<400xi32, #tpu.memory_space<vmem>>) target_semaphore(%arg13 : memref<!tpu.dma_semaphore, #tpu.memory_space<semaphore_mem>>)
    %dma_wait3A_51 = arith.constant 0 : i32
    %dma_wait3A_52 = arith.constant 0 : i32
    %dma_wait3A_53 = tpu.memref_slice %arg3[%dma_wait3A_51, %dma_wait3A_52] : memref<1000000x64xf32, #tpu.memory_space<hbm>> -> memref<1000000x64xf32, #tpu.memory_space<hbm>>
    tpu.wait_indirect_dma semaphore(%arg18 : memref<!tpu.dma_semaphore, #tpu.memory_space<semaphore_mem>>) src(%dma_wait3A_53 : memref<1000000x64xf32, #tpu.memory_space<hbm>>) dst(%arg10 : memref<400x64xf32, #tpu.memory_space<vmem>>)
    %add3A_54 = arith.constant 400 : i32
    %add3A_55 = arith.addi %mul3A_2, %add3A_54 : i32
    %dma_start3A_56 = arith.constant 0 : i32
    %dma_start3A_57 = tpu.memref_slice %arg4[%add3A_55, %dma_start3A_56] : memref<819200x64xf32, #tpu.memory_space<hbm>> -> memref<400x64xf32, #tpu.memory_space<hbm>>
    %dma_start3A_58 = arith.constant 0 : i32
    %dma_start3A_59 = tpu.memref_slice %arg4[%add3A_55, %dma_start3A_58] : memref<819200x64xf32, #tpu.memory_space<hbm>> -> memref<400x64xf32, #tpu.memory_space<hbm>>
    tpu.enqueue_dma source(%arg10 : memref<400x64xf32, #tpu.memory_space<vmem>>) target(%dma_start3A_59 : memref<400x64xf32, #tpu.memory_space<hbm>>) target_semaphore(%arg22 : memref<!tpu.dma_semaphore, #tpu.memory_space<semaphore_mem>>)
    %add3A_60 = arith.constant 1200 : i32
    %add3A_61 = arith.addi %mul3A_2, %add3A_60 : i32
    %dma_wait3A_62 = tpu.memref_slice %arg2[%add3A_61] : memref<819200xi32, #tpu.memory_space<hbm>> -> memref<400xi32, #tpu.memory_space<hbm>>
    %dma_wait3A_63 = tpu.memref_slice %arg2[%add3A_61] : memref<819200xi32, #tpu.memory_space<hbm>> -> memref<400xi32, #tpu.memory_space<hbm>>
    tpu.wait_dma2 semaphore(%arg16 : memref<!tpu.dma_semaphore, #tpu.memory_space<semaphore_mem>>) src(%dma_wait3A_63 : memref<400xi32, #tpu.memory_space<hbm>>) dst(%arg8 : memref<400xi32, #tpu.memory_space<vmem>>)
    %dma_start3A_64 = arith.constant 0 : i32
    %dma_start3A_65 = arith.constant 0 : i32
    %dma_start3A_66 = tpu.memref_slice %arg3[%dma_start3A_64, %dma_start3A_65] : memref<1000000x64xf32, #tpu.memory_space<hbm>> -> memref<1000000x64xf32, #tpu.memory_space<hbm>>
    tpu.enqueue_indirect_dma source(%dma_start3A_66 : memref<1000000x64xf32, #tpu.memory_space<hbm>>) target(%arg12 : memref<400x64xf32, #tpu.memory_space<vmem>>) offsets(%arg8 : memref<400xi32, #tpu.memory_space<vmem>>) semaphore(%arg20 : memref<!tpu.dma_semaphore, #tpu.memory_space<semaphore_mem>>)
    %add3A_67 = arith.constant 2000 : i32
    %add3A_68 = arith.addi %mul3A_2, %add3A_67 : i32
    %dma_start3A_69 = tpu.memref_slice %arg2[%add3A_68] : memref<819200xi32, #tpu.memory_space<hbm>> -> memref<400xi32, #tpu.memory_space<hbm>>
    %dma_start3A_70 = tpu.memref_slice %arg2[%add3A_68] : memref<819200xi32, #tpu.memory_space<hbm>> -> memref<400xi32, #tpu.memory_space<hbm>>
    tpu.enqueue_dma source(%dma_start3A_70 : memref<400xi32, #tpu.memory_space<hbm>>) target(%arg6 : memref<400xi32, #tpu.memory_space<vmem>>) target_semaphore(%arg14 : memref<!tpu.dma_semaphore, #tpu.memory_space<semaphore_mem>>)
    %dma_wait3A_71 = arith.constant 0 : i32
    %dma_wait3A_72 = arith.constant 0 : i32
    %dma_wait3A_73 = tpu.memref_slice %arg3[%dma_wait3A_71, %dma_wait3A_72] : memref<1000000x64xf32, #tpu.memory_space<hbm>> -> memref<1000000x64xf32, #tpu.memory_space<hbm>>
    tpu.wait_indirect_dma semaphore(%arg19 : memref<!tpu.dma_semaphore, #tpu.memory_space<semaphore_mem>>) src(%dma_wait3A_73 : memref<1000000x64xf32, #tpu.memory_space<hbm>>) dst(%arg11 : memref<400x64xf32, #tpu.memory_space<vmem>>)
    %add3A_74 = arith.constant 800 : i32
    %add3A_75 = arith.addi %mul3A_2, %add3A_74 : i32
    %dma_start3A_76 = arith.constant 0 : i32
    %dma_start3A_77 = tpu.memref_slice %arg4[%add3A_75, %dma_start3A_76] : memref<819200x64xf32, #tpu.memory_space<hbm>> -> memref<400x64xf32, #tpu.memory_space<hbm>>
    %dma_start3A_78 = arith.constant 0 : i32
    %dma_start3A_79 = tpu.memref_slice %arg4[%add3A_75, %dma_start3A_78] : memref<819200x64xf32, #tpu.memory_space<hbm>> -> memref<400x64xf32, #tpu.memory_space<hbm>>
    tpu.enqueue_dma source(%arg11 : memref<400x64xf32, #tpu.memory_space<vmem>>) target(%dma_start3A_79 : memref<400x64xf32, #tpu.memory_space<hbm>>) target_semaphore(%arg23 : memref<!tpu.dma_semaphore, #tpu.memory_space<semaphore_mem>>)
    %add3A_80 = arith.constant 0 : i32
    %add3A_81 = arith.addi %mul3A_2, %add3A_80 : i32
    %dma_wait3A_82 = arith.constant 0 : i32
    %dma_wait3A_83 = tpu.memref_slice %arg4[%add3A_81, %dma_wait3A_82] : memref<819200x64xf32, #tpu.memory_space<hbm>> -> memref<400x64xf32, #tpu.memory_space<hbm>>
    %dma_wait3A_84 = arith.constant 0 : i32
    %dma_wait3A_85 = tpu.memref_slice %arg4[%add3A_81, %dma_wait3A_84] : memref<819200x64xf32, #tpu.memory_space<hbm>> -> memref<400x64xf32, #tpu.memory_space<hbm>>
    tpu.wait_dma2 semaphore(%arg21 : memref<!tpu.dma_semaphore, #tpu.memory_space<semaphore_mem>>) src(%arg9 : memref<400x64xf32, #tpu.memory_space<vmem>>) dst(%dma_wait3A_85 : memref<400x64xf32, #tpu.memory_space<hbm>>)
    %add3A_86 = arith.constant 1600 : i32
    %add3A_87 = arith.addi %mul3A_2, %add3A_86 : i32
    %dma_wait3A_88 = tpu.memref_slice %arg2[%add3A_87] : memref<819200xi32, #tpu.memory_space<hbm>> -> memref<400xi32, #tpu.memory_space<hbm>>
    %dma_wait3A_89 = tpu.memref_slice %arg2[%add3A_87] : memref<819200xi32, #tpu.memory_space<hbm>> -> memref<400xi32, #tpu.memory_space<hbm>>
    tpu.wait_dma2 semaphore(%arg13 : memref<!tpu.dma_semaphore, #tpu.memory_space<semaphore_mem>>) src(%dma_wait3A_89 : memref<400xi32, #tpu.memory_space<hbm>>) dst(%arg5 : memref<400xi32, #tpu.memory_space<vmem>>)
    %dma_start3A_90 = arith.constant 0 : i32
    %dma_start3A_91 = arith.constant 0 : i32
    %dma_start3A_92 = tpu.memref_slice %arg3[%dma_start3A_90, %dma_start3A_91] : memref<1000000x64xf32, #tpu.memory_space<hbm>> -> memref<1000000x64xf32, #tpu.memory_space<hbm>>
    tpu.enqueue_indirect_dma source(%dma_start3A_92 : memref<1000000x64xf32, #tpu.memory_space<hbm>>) target(%arg9 : memref<400x64xf32, #tpu.memory_space<vmem>>) offsets(%arg5 : memref<400xi32, #tpu.memory_space<vmem>>) semaphore(%arg17 : memref<!tpu.dma_semaphore, #tpu.memory_space<semaphore_mem>>)
    %add3A_93 = arith.constant 2400 : i32
    %add3A_94 = arith.addi %mul3A_2, %add3A_93 : i32
    %dma_start3A_95 = tpu.memref_slice %arg2[%add3A_94] : memref<819200xi32, #tpu.memory_space<hbm>> -> memref<400xi32, #tpu.memory_space<hbm>>
    %dma_start3A_96 = tpu.memref_slice %arg2[%add3A_94] : memref<819200xi32, #tpu.memory_space<hbm>> -> memref<400xi32, #tpu.memory_space<hbm>>
    tpu.enqueue_dma source(%dma_start3A_96 : memref<400xi32, #tpu.memory_space<hbm>>) target(%arg7 : memref<400xi32, #tpu.memory_space<vmem>>) target_semaphore(%arg15 : memref<!tpu.dma_semaphore, #tpu.memory_space<semaphore_mem>>)
    %dma_wait3A_97 = arith.constant 0 : i32
    %dma_wait3A_98 = arith.constant 0 : i32
    %dma_wait3A_99 = tpu.memref_slice %arg3[%dma_wait3A_97, %dma_wait3A_98] : memref<1000000x64xf32, #tpu.memory_space<hbm>> -> memref<1000000x64xf32, #tpu.memory_space<hbm>>
    tpu.wait_indirect_dma semaphore(%arg20 : memref<!tpu.dma_semaphore, #tpu.memory_space<semaphore_mem>>) src(%dma_wait3A_99 : memref<1000000x64xf32, #tpu.memory_space<hbm>>) dst(%arg12 : memref<400x64xf32, #tpu.memory_space<vmem>>)
    %add3A_100 = arith.constant 1200 : i32
    %add3A_101 = arith.addi %mul3A_2, %add3A_100 : i32
    %dma_start3A_102 = arith.constant 0 : i32
    %dma_start3A_103 = tpu.memref_slice %arg4[%add3A_101, %dma_start3A_102] : memref<819200x64xf32, #tpu.memory_space<hbm>> -> memref<400x64xf32, #tpu.memory_space<hbm>>
    %dma_start3A_104 = arith.constant 0 : i32
    %dma_start3A_105 = tpu.memref_slice %arg4[%add3A_101, %dma_start3A_104] : memref<819200x64xf32, #tpu.memory_space<hbm>> -> memref<400x64xf32, #tpu.memory_space<hbm>>
    tpu.enqueue_dma source(%arg12 : memref<400x64xf32, #tpu.memory_space<vmem>>) target(%dma_start3A_105 : memref<400x64xf32, #tpu.memory_space<hbm>>) target_semaphore(%arg24 : memref<!tpu.dma_semaphore, #tpu.memory_space<semaphore_mem>>)
    %add3A_106 = arith.constant 400 : i32
    %add3A_107 = arith.addi %mul3A_2, %add3A_106 : i32
    %dma_wait3A_108 = arith.constant 0 : i32
    %dma_wait3A_109 = tpu.memref_slice %arg4[%add3A_107, %dma_wait3A_108] : memref<819200x64xf32, #tpu.memory_space<hbm>> -> memref<400x64xf32, #tpu.memory_space<hbm>>
    %dma_wait3A_110 = arith.constant 0 : i32
    %dma_wait3A_111 = tpu.memref_slice %arg4[%add3A_107, %dma_wait3A_110] : memref<819200x64xf32, #tpu.memory_space<hbm>> -> memref<400x64xf32, #tpu.memory_space<hbm>>
    tpu.wait_dma2 semaphore(%arg22 : memref<!tpu.dma_semaphore, #tpu.memory_space<semaphore_mem>>) src(%arg10 : memref<400x64xf32, #tpu.memory_space<vmem>>) dst(%dma_wait3A_111 : memref<400x64xf32, #tpu.memory_space<hbm>>)
    %add3A_112 = arith.constant 2000 : i32
    %add3A_113 = arith.addi %mul3A_2, %add3A_112 : i32
    %dma_wait3A_114 = tpu.memref_slice %arg2[%add3A_113] : memref<819200xi32, #tpu.memory_space<hbm>> -> memref<400xi32, #tpu.memory_space<hbm>>
    %dma_wait3A_115 = tpu.memref_slice %arg2[%add3A_113] : memref<819200xi32, #tpu.memory_space<hbm>> -> memref<400xi32, #tpu.memory_space<hbm>>
    tpu.wait_dma2 semaphore(%arg14 : memref<!tpu.dma_semaphore, #tpu.memory_space<semaphore_mem>>) src(%dma_wait3A_115 : memref<400xi32, #tpu.memory_space<hbm>>) dst(%arg6 : memref<400xi32, #tpu.memory_space<vmem>>)
    %dma_start3A_116 = arith.constant 0 : i32
    %dma_start3A_117 = arith.constant 0 : i32
    %dma_start3A_118 = tpu.memref_slice %arg3[%dma_start3A_116, %dma_start3A_117] : memref<1000000x64xf32, #tpu.memory_space<hbm>> -> memref<1000000x64xf32, #tpu.memory_space<hbm>>
    tpu.enqueue_indirect_dma source(%dma_start3A_118 : memref<1000000x64xf32, #tpu.memory_space<hbm>>) target(%arg10 : memref<400x64xf32, #tpu.memory_space<vmem>>) offsets(%arg6 : memref<400xi32, #tpu.memory_space<vmem>>) semaphore(%arg18 : memref<!tpu.dma_semaphore, #tpu.memory_space<semaphore_mem>>)
    %add3A_119 = arith.constant 2800 : i32
    %add3A_120 = arith.addi %mul3A_2, %add3A_119 : i32
    %dma_start3A_121 = tpu.memref_slice %arg2[%add3A_120] : memref<819200xi32, #tpu.memory_space<hbm>> -> memref<400xi32, #tpu.memory_space<hbm>>
    %dma_start3A_122 = tpu.memref_slice %arg2[%add3A_120] : memref<819200xi32, #tpu.memory_space<hbm>> -> memref<400xi32, #tpu.memory_space<hbm>>
    tpu.enqueue_dma source(%dma_start3A_122 : memref<400xi32, #tpu.memory_space<hbm>>) target(%arg8 : memref<400xi32, #tpu.memory_space<vmem>>) target_semaphore(%arg16 : memref<!tpu.dma_semaphore, #tpu.memory_space<semaphore_mem>>)
    %scan3A = arith.constant 0 : i32
    %scan3A_123 = arith.constant 1 : i32
    %scan3A_124 = arith.constant 14 : i32
    %scan3A_125 = arith.addi %scan3A_123, %scan3A_124 : i32
    %scan3A_126 = arith.constant 1 : i32
    scf.for %scan3A_214 = %scan3A_123 to %scan3A_125 step %scan3A_126  : i32 {
      %mul3A_215 = arith.constant 4 : i32
      %mul3A_216 = arith.muli %scan3A_214, %mul3A_215 : i32
      %add3A_217 = arith.constant 0 : i32
      %add3A_218 = arith.addi %mul3A_216, %add3A_217 : i32
      %dma_wait3A_219 = arith.constant 0 : i32
      %dma_wait3A_220 = arith.constant 0 : i32
      %dma_wait3A_221 = tpu.memref_slice %arg3[%dma_wait3A_219, %dma_wait3A_220] : memref<1000000x64xf32, #tpu.memory_space<hbm>> -> memref<1000000x64xf32, #tpu.memory_space<hbm>>
      tpu.wait_indirect_dma semaphore(%arg17 : memref<!tpu.dma_semaphore, #tpu.memory_space<semaphore_mem>>) src(%dma_wait3A_221 : memref<1000000x64xf32, #tpu.memory_space<hbm>>) dst(%arg9 : memref<400x64xf32, #tpu.memory_space<vmem>>)
      %mul3A_222 = arith.constant 400 : i32
      %mul3A_223 = arith.muli %add3A_218, %mul3A_222 : i32
      %add3A_224 = arith.addi %mul3A_2, %mul3A_223 : i32
      %dma_start3A_225 = arith.constant 0 : i32
      %dma_start3A_226 = tpu.memref_slice %arg4[%add3A_224, %dma_start3A_225] : memref<819200x64xf32, #tpu.memory_space<hbm>> -> memref<400x64xf32, #tpu.memory_space<hbm>>
      %dma_start3A_227 = arith.constant 0 : i32
      %dma_start3A_228 = tpu.memref_slice %arg4[%add3A_224, %dma_start3A_227] : memref<819200x64xf32, #tpu.memory_space<hbm>> -> memref<400x64xf32, #tpu.memory_space<hbm>>
      tpu.enqueue_dma source(%arg9 : memref<400x64xf32, #tpu.memory_space<vmem>>) target(%dma_start3A_228 : memref<400x64xf32, #tpu.memory_space<hbm>>) target_semaphore(%arg21 : memref<!tpu.dma_semaphore, #tpu.memory_space<semaphore_mem>>)
      %sub3A = arith.constant 2 : i32
      %sub3A_229 = arith.subi %add3A_218, %sub3A : i32
      %mul3A_230 = arith.constant 400 : i32
      %mul3A_231 = arith.muli %sub3A_229, %mul3A_230 : i32
      %add3A_232 = arith.addi %mul3A_2, %mul3A_231 : i32
      %dma_wait3A_233 = arith.constant 0 : i32
      %dma_wait3A_234 = tpu.memref_slice %arg4[%add3A_232, %dma_wait3A_233] : memref<819200x64xf32, #tpu.memory_space<hbm>> -> memref<400x64xf32, #tpu.memory_space<hbm>>
      %dma_wait3A_235 = arith.constant 0 : i32
      %dma_wait3A_236 = tpu.memref_slice %arg4[%add3A_232, %dma_wait3A_235] : memref<819200x64xf32, #tpu.memory_space<hbm>> -> memref<400x64xf32, #tpu.memory_space<hbm>>
      tpu.wait_dma2 semaphore(%arg23 : memref<!tpu.dma_semaphore, #tpu.memory_space<semaphore_mem>>) src(%arg11 : memref<400x64xf32, #tpu.memory_space<vmem>>) dst(%dma_wait3A_236 : memref<400x64xf32, #tpu.memory_space<hbm>>)
      %add3A_237 = arith.constant 2 : i32
      %add3A_238 = arith.addi %add3A_218, %add3A_237 : i32
      %mul3A_239 = arith.constant 400 : i32
      %mul3A_240 = arith.muli %add3A_238, %mul3A_239 : i32
      %add3A_241 = arith.addi %mul3A_2, %mul3A_240 : i32
      %dma_wait3A_242 = tpu.memref_slice %arg2[%add3A_241] : memref<819200xi32, #tpu.memory_space<hbm>> -> memref<400xi32, #tpu.memory_space<hbm>>
      %dma_wait3A_243 = tpu.memref_slice %arg2[%add3A_241] : memref<819200xi32, #tpu.memory_space<hbm>> -> memref<400xi32, #tpu.memory_space<hbm>>
      tpu.wait_dma2 semaphore(%arg15 : memref<!tpu.dma_semaphore, #tpu.memory_space<semaphore_mem>>) src(%dma_wait3A_243 : memref<400xi32, #tpu.memory_space<hbm>>) dst(%arg7 : memref<400xi32, #tpu.memory_space<vmem>>)
      %add3A_244 = arith.constant 2 : i32
      %add3A_245 = arith.addi %add3A_218, %add3A_244 : i32
      %dma_start3A_246 = arith.constant 0 : i32
      %dma_start3A_247 = arith.constant 0 : i32
      %dma_start3A_248 = tpu.memref_slice %arg3[%dma_start3A_246, %dma_start3A_247] : memref<1000000x64xf32, #tpu.memory_space<hbm>> -> memref<1000000x64xf32, #tpu.memory_space<hbm>>
      tpu.enqueue_indirect_dma source(%dma_start3A_248 : memref<1000000x64xf32, #tpu.memory_space<hbm>>) target(%arg11 : memref<400x64xf32, #tpu.memory_space<vmem>>) offsets(%arg7 : memref<400xi32, #tpu.memory_space<vmem>>) semaphore(%arg19 : memref<!tpu.dma_semaphore, #tpu.memory_space<semaphore_mem>>)
      %add3A_249 = arith.constant 4 : i32
      %add3A_250 = arith.addi %add3A_218, %add3A_249 : i32
      %mul3A_251 = arith.constant 400 : i32
      %mul3A_252 = arith.muli %add3A_250, %mul3A_251 : i32
      %add3A_253 = arith.addi %mul3A_2, %mul3A_252 : i32
      %dma_start3A_254 = tpu.memref_slice %arg2[%add3A_253] : memref<819200xi32, #tpu.memory_space<hbm>> -> memref<400xi32, #tpu.memory_space<hbm>>
      %dma_start3A_255 = tpu.memref_slice %arg2[%add3A_253] : memref<819200xi32, #tpu.memory_space<hbm>> -> memref<400xi32, #tpu.memory_space<hbm>>
      tpu.enqueue_dma source(%dma_start3A_255 : memref<400xi32, #tpu.memory_space<hbm>>) target(%arg5 : memref<400xi32, #tpu.memory_space<vmem>>) target_semaphore(%arg13 : memref<!tpu.dma_semaphore, #tpu.memory_space<semaphore_mem>>)
      %add3A_256 = arith.constant 1 : i32
      %add3A_257 = arith.addi %mul3A_216, %add3A_256 : i32
      %dma_wait3A_258 = arith.constant 0 : i32
      %dma_wait3A_259 = arith.constant 0 : i32
      %dma_wait3A_260 = tpu.memref_slice %arg3[%dma_wait3A_258, %dma_wait3A_259] : memref<1000000x64xf32, #tpu.memory_space<hbm>> -> memref<1000000x64xf32, #tpu.memory_space<hbm>>
      tpu.wait_indirect_dma semaphore(%arg18 : memref<!tpu.dma_semaphore, #tpu.memory_space<semaphore_mem>>) src(%dma_wait3A_260 : memref<1000000x64xf32, #tpu.memory_space<hbm>>) dst(%arg10 : memref<400x64xf32, #tpu.memory_space<vmem>>)
      %mul3A_261 = arith.constant 400 : i32
      %mul3A_262 = arith.muli %add3A_257, %mul3A_261 : i32
      %add3A_263 = arith.addi %mul3A_2, %mul3A_262 : i32
      %dma_start3A_264 = arith.constant 0 : i32
      %dma_start3A_265 = tpu.memref_slice %arg4[%add3A_263, %dma_start3A_264] : memref<819200x64xf32, #tpu.memory_space<hbm>> -> memref<400x64xf32, #tpu.memory_space<hbm>>
      %dma_start3A_266 = arith.constant 0 : i32
      %dma_start3A_267 = tpu.memref_slice %arg4[%add3A_263, %dma_start3A_266] : memref<819200x64xf32, #tpu.memory_space<hbm>> -> memref<400x64xf32, #tpu.memory_space<hbm>>
      tpu.enqueue_dma source(%arg10 : memref<400x64xf32, #tpu.memory_space<vmem>>) target(%dma_start3A_267 : memref<400x64xf32, #tpu.memory_space<hbm>>) target_semaphore(%arg22 : memref<!tpu.dma_semaphore, #tpu.memory_space<semaphore_mem>>)
      %sub3A_268 = arith.constant 2 : i32
      %sub3A_269 = arith.subi %add3A_257, %sub3A_268 : i32
      %mul3A_270 = arith.constant 400 : i32
      %mul3A_271 = arith.muli %sub3A_269, %mul3A_270 : i32
      %add3A_272 = arith.addi %mul3A_2, %mul3A_271 : i32
      %dma_wait3A_273 = arith.constant 0 : i32
      %dma_wait3A_274 = tpu.memref_slice %arg4[%add3A_272, %dma_wait3A_273] : memref<819200x64xf32, #tpu.memory_space<hbm>> -> memref<400x64xf32, #tpu.memory_space<hbm>>
      %dma_wait3A_275 = arith.constant 0 : i32
      %dma_wait3A_276 = tpu.memref_slice %arg4[%add3A_272, %dma_wait3A_275] : memref<819200x64xf32, #tpu.memory_space<hbm>> -> memref<400x64xf32, #tpu.memory_space<hbm>>
      tpu.wait_dma2 semaphore(%arg24 : memref<!tpu.dma_semaphore, #tpu.memory_space<semaphore_mem>>) src(%arg12 : memref<400x64xf32, #tpu.memory_space<vmem>>) dst(%dma_wait3A_276 : memref<400x64xf32, #tpu.memory_space<hbm>>)
      %add3A_277 = arith.constant 2 : i32
      %add3A_278 = arith.addi %add3A_257, %add3A_277 : i32
      %mul3A_279 = arith.constant 400 : i32
      %mul3A_280 = arith.muli %add3A_278, %mul3A_279 : i32
      %add3A_281 = arith.addi %mul3A_2, %mul3A_280 : i32
      %dma_wait3A_282 = tpu.memref_slice %arg2[%add3A_281] : memref<819200xi32, #tpu.memory_space<hbm>> -> memref<400xi32, #tpu.memory_space<hbm>>
      %dma_wait3A_283 = tpu.memref_slice %arg2[%add3A_281] : memref<819200xi32, #tpu.memory_space<hbm>> -> memref<400xi32, #tpu.memory_space<hbm>>
      tpu.wait_dma2 semaphore(%arg16 : memref<!tpu.dma_semaphore, #tpu.memory_space<semaphore_mem>>) src(%dma_wait3A_283 : memref<400xi32, #tpu.memory_space<hbm>>) dst(%arg8 : memref<400xi32, #tpu.memory_space<vmem>>)
      %add3A_284 = arith.constant 2 : i32
      %add3A_285 = arith.addi %add3A_257, %add3A_284 : i32
      %dma_start3A_286 = arith.constant 0 : i32
      %dma_start3A_287 = arith.constant 0 : i32
      %dma_start3A_288 = tpu.memref_slice %arg3[%dma_start3A_286, %dma_start3A_287] : memref<1000000x64xf32, #tpu.memory_space<hbm>> -> memref<1000000x64xf32, #tpu.memory_space<hbm>>
      tpu.enqueue_indirect_dma source(%dma_start3A_288 : memref<1000000x64xf32, #tpu.memory_space<hbm>>) target(%arg12 : memref<400x64xf32, #tpu.memory_space<vmem>>) offsets(%arg8 : memref<400xi32, #tpu.memory_space<vmem>>) semaphore(%arg20 : memref<!tpu.dma_semaphore, #tpu.memory_space<semaphore_mem>>)
      %add3A_289 = arith.constant 4 : i32
      %add3A_290 = arith.addi %add3A_257, %add3A_289 : i32
      %mul3A_291 = arith.constant 400 : i32
      %mul3A_292 = arith.muli %add3A_290, %mul3A_291 : i32
      %add3A_293 = arith.addi %mul3A_2, %mul3A_292 : i32
      %dma_start3A_294 = tpu.memref_slice %arg2[%add3A_293] : memref<819200xi32, #tpu.memory_space<hbm>> -> memref<400xi32, #tpu.memory_space<hbm>>
      %dma_start3A_295 = tpu.memref_slice %arg2[%add3A_293] : memref<819200xi32, #tpu.memory_space<hbm>> -> memref<400xi32, #tpu.memory_space<hbm>>
      tpu.enqueue_dma source(%dma_start3A_295 : memref<400xi32, #tpu.memory_space<hbm>>) target(%arg6 : memref<400xi32, #tpu.memory_space<vmem>>) target_semaphore(%arg14 : memref<!tpu.dma_semaphore, #tpu.memory_space<semaphore_mem>>)
      %add3A_296 = arith.constant 2 : i32
      %add3A_297 = arith.addi %mul3A_216, %add3A_296 : i32
      %dma_wait3A_298 = arith.constant 0 : i32
      %dma_wait3A_299 = arith.constant 0 : i32
      %dma_wait3A_300 = tpu.memref_slice %arg3[%dma_wait3A_298, %dma_wait3A_299] : memref<1000000x64xf32, #tpu.memory_space<hbm>> -> memref<1000000x64xf32, #tpu.memory_space<hbm>>
      tpu.wait_indirect_dma semaphore(%arg19 : memref<!tpu.dma_semaphore, #tpu.memory_space<semaphore_mem>>) src(%dma_wait3A_300 : memref<1000000x64xf32, #tpu.memory_space<hbm>>) dst(%arg11 : memref<400x64xf32, #tpu.memory_space<vmem>>)
      %mul3A_301 = arith.constant 400 : i32
      %mul3A_302 = arith.muli %add3A_297, %mul3A_301 : i32
      %add3A_303 = arith.addi %mul3A_2, %mul3A_302 : i32
      %dma_start3A_304 = arith.constant 0 : i32
      %dma_start3A_305 = tpu.memref_slice %arg4[%add3A_303, %dma_start3A_304] : memref<819200x64xf32, #tpu.memory_space<hbm>> -> memref<400x64xf32, #tpu.memory_space<hbm>>
      %dma_start3A_306 = arith.constant 0 : i32
      %dma_start3A_307 = tpu.memref_slice %arg4[%add3A_303, %dma_start3A_306] : memref<819200x64xf32, #tpu.memory_space<hbm>> -> memref<400x64xf32, #tpu.memory_space<hbm>>
      tpu.enqueue_dma source(%arg11 : memref<400x64xf32, #tpu.memory_space<vmem>>) target(%dma_start3A_307 : memref<400x64xf32, #tpu.memory_space<hbm>>) target_semaphore(%arg23 : memref<!tpu.dma_semaphore, #tpu.memory_space<semaphore_mem>>)
      %sub3A_308 = arith.constant 2 : i32
      %sub3A_309 = arith.subi %add3A_297, %sub3A_308 : i32
      %mul3A_310 = arith.constant 400 : i32
      %mul3A_311 = arith.muli %sub3A_309, %mul3A_310 : i32
      %add3A_312 = arith.addi %mul3A_2, %mul3A_311 : i32
      %dma_wait3A_313 = arith.constant 0 : i32
      %dma_wait3A_314 = tpu.memref_slice %arg4[%add3A_312, %dma_wait3A_313] : memref<819200x64xf32, #tpu.memory_space<hbm>> -> memref<400x64xf32, #tpu.memory_space<hbm>>
      %dma_wait3A_315 = arith.constant 0 : i32
      %dma_wait3A_316 = tpu.memref_slice %arg4[%add3A_312, %dma_wait3A_315] : memref<819200x64xf32, #tpu.memory_space<hbm>> -> memref<400x64xf32, #tpu.memory_space<hbm>>
      tpu.wait_dma2 semaphore(%arg21 : memref<!tpu.dma_semaphore, #tpu.memory_space<semaphore_mem>>) src(%arg9 : memref<400x64xf32, #tpu.memory_space<vmem>>) dst(%dma_wait3A_316 : memref<400x64xf32, #tpu.memory_space<hbm>>)
      %add3A_317 = arith.constant 2 : i32
      %add3A_318 = arith.addi %add3A_297, %add3A_317 : i32
      %mul3A_319 = arith.constant 400 : i32
      %mul3A_320 = arith.muli %add3A_318, %mul3A_319 : i32
      %add3A_321 = arith.addi %mul3A_2, %mul3A_320 : i32
      %dma_wait3A_322 = tpu.memref_slice %arg2[%add3A_321] : memref<819200xi32, #tpu.memory_space<hbm>> -> memref<400xi32, #tpu.memory_space<hbm>>
      %dma_wait3A_323 = tpu.memref_slice %arg2[%add3A_321] : memref<819200xi32, #tpu.memory_space<hbm>> -> memref<400xi32, #tpu.memory_space<hbm>>
      tpu.wait_dma2 semaphore(%arg13 : memref<!tpu.dma_semaphore, #tpu.memory_space<semaphore_mem>>) src(%dma_wait3A_323 : memref<400xi32, #tpu.memory_space<hbm>>) dst(%arg5 : memref<400xi32, #tpu.memory_space<vmem>>)
      %add3A_324 = arith.constant 2 : i32
      %add3A_325 = arith.addi %add3A_297, %add3A_324 : i32
      %dma_start3A_326 = arith.constant 0 : i32
      %dma_start3A_327 = arith.constant 0 : i32
      %dma_start3A_328 = tpu.memref_slice %arg3[%dma_start3A_326, %dma_start3A_327] : memref<1000000x64xf32, #tpu.memory_space<hbm>> -> memref<1000000x64xf32, #tpu.memory_space<hbm>>
      tpu.enqueue_indirect_dma source(%dma_start3A_328 : memref<1000000x64xf32, #tpu.memory_space<hbm>>) target(%arg9 : memref<400x64xf32, #tpu.memory_space<vmem>>) offsets(%arg5 : memref<400xi32, #tpu.memory_space<vmem>>) semaphore(%arg17 : memref<!tpu.dma_semaphore, #tpu.memory_space<semaphore_mem>>)
      %add3A_329 = arith.constant 4 : i32
      %add3A_330 = arith.addi %add3A_297, %add3A_329 : i32
      %mul3A_331 = arith.constant 400 : i32
      %mul3A_332 = arith.muli %add3A_330, %mul3A_331 : i32
      %add3A_333 = arith.addi %mul3A_2, %mul3A_332 : i32
      %dma_start3A_334 = tpu.memref_slice %arg2[%add3A_333] : memref<819200xi32, #tpu.memory_space<hbm>> -> memref<400xi32, #tpu.memory_space<hbm>>
      %dma_start3A_335 = tpu.memref_slice %arg2[%add3A_333] : memref<819200xi32, #tpu.memory_space<hbm>> -> memref<400xi32, #tpu.memory_space<hbm>>
      tpu.enqueue_dma source(%dma_start3A_335 : memref<400xi32, #tpu.memory_space<hbm>>) target(%arg7 : memref<400xi32, #tpu.memory_space<vmem>>) target_semaphore(%arg15 : memref<!tpu.dma_semaphore, #tpu.memory_space<semaphore_mem>>)
      %add3A_336 = arith.constant 3 : i32
      %add3A_337 = arith.addi %mul3A_216, %add3A_336 : i32
      %dma_wait3A_338 = arith.constant 0 : i32
      %dma_wait3A_339 = arith.constant 0 : i32
      %dma_wait3A_340 = tpu.memref_slice %arg3[%dma_wait3A_338, %dma_wait3A_339] : memref<1000000x64xf32, #tpu.memory_space<hbm>> -> memref<1000000x64xf32, #tpu.memory_space<hbm>>
      tpu.wait_indirect_dma semaphore(%arg20 : memref<!tpu.dma_semaphore, #tpu.memory_space<semaphore_mem>>) src(%dma_wait3A_340 : memref<1000000x64xf32, #tpu.memory_space<hbm>>) dst(%arg12 : memref<400x64xf32, #tpu.memory_space<vmem>>)
      %mul3A_341 = arith.constant 400 : i32
      %mul3A_342 = arith.muli %add3A_337, %mul3A_341 : i32
      %add3A_343 = arith.addi %mul3A_2, %mul3A_342 : i32
      %dma_start3A_344 = arith.constant 0 : i32
      %dma_start3A_345 = tpu.memref_slice %arg4[%add3A_343, %dma_start3A_344] : memref<819200x64xf32, #tpu.memory_space<hbm>> -> memref<400x64xf32, #tpu.memory_space<hbm>>
      %dma_start3A_346 = arith.constant 0 : i32
      %dma_start3A_347 = tpu.memref_slice %arg4[%add3A_343, %dma_start3A_346] : memref<819200x64xf32, #tpu.memory_space<hbm>> -> memref<400x64xf32, #tpu.memory_space<hbm>>
      tpu.enqueue_dma source(%arg12 : memref<400x64xf32, #tpu.memory_space<vmem>>) target(%dma_start3A_347 : memref<400x64xf32, #tpu.memory_space<hbm>>) target_semaphore(%arg24 : memref<!tpu.dma_semaphore, #tpu.memory_space<semaphore_mem>>)
      %sub3A_348 = arith.constant 2 : i32
      %sub3A_349 = arith.subi %add3A_337, %sub3A_348 : i32
      %mul3A_350 = arith.constant 400 : i32
      %mul3A_351 = arith.muli %sub3A_349, %mul3A_350 : i32
      %add3A_352 = arith.addi %mul3A_2, %mul3A_351 : i32
      %dma_wait3A_353 = arith.constant 0 : i32
      %dma_wait3A_354 = tpu.memref_slice %arg4[%add3A_352, %dma_wait3A_353] : memref<819200x64xf32, #tpu.memory_space<hbm>> -> memref<400x64xf32, #tpu.memory_space<hbm>>
      %dma_wait3A_355 = arith.constant 0 : i32
      %dma_wait3A_356 = tpu.memref_slice %arg4[%add3A_352, %dma_wait3A_355] : memref<819200x64xf32, #tpu.memory_space<hbm>> -> memref<400x64xf32, #tpu.memory_space<hbm>>
      tpu.wait_dma2 semaphore(%arg22 : memref<!tpu.dma_semaphore, #tpu.memory_space<semaphore_mem>>) src(%arg10 : memref<400x64xf32, #tpu.memory_space<vmem>>) dst(%dma_wait3A_356 : memref<400x64xf32, #tpu.memory_space<hbm>>)
      %add3A_357 = arith.constant 2 : i32
      %add3A_358 = arith.addi %add3A_337, %add3A_357 : i32
      %mul3A_359 = arith.constant 400 : i32
      %mul3A_360 = arith.muli %add3A_358, %mul3A_359 : i32
      %add3A_361 = arith.addi %mul3A_2, %mul3A_360 : i32
      %dma_wait3A_362 = tpu.memref_slice %arg2[%add3A_361] : memref<819200xi32, #tpu.memory_space<hbm>> -> memref<400xi32, #tpu.memory_space<hbm>>
      %dma_wait3A_363 = tpu.memref_slice %arg2[%add3A_361] : memref<819200xi32, #tpu.memory_space<hbm>> -> memref<400xi32, #tpu.memory_space<hbm>>
      tpu.wait_dma2 semaphore(%arg14 : memref<!tpu.dma_semaphore, #tpu.memory_space<semaphore_mem>>) src(%dma_wait3A_363 : memref<400xi32, #tpu.memory_space<hbm>>) dst(%arg6 : memref<400xi32, #tpu.memory_space<vmem>>)
      %add3A_364 = arith.constant 2 : i32
      %add3A_365 = arith.addi %add3A_337, %add3A_364 : i32
      %dma_start3A_366 = arith.constant 0 : i32
      %dma_start3A_367 = arith.constant 0 : i32
      %dma_start3A_368 = tpu.memref_slice %arg3[%dma_start3A_366, %dma_start3A_367] : memref<1000000x64xf32, #tpu.memory_space<hbm>> -> memref<1000000x64xf32, #tpu.memory_space<hbm>>
      tpu.enqueue_indirect_dma source(%dma_start3A_368 : memref<1000000x64xf32, #tpu.memory_space<hbm>>) target(%arg10 : memref<400x64xf32, #tpu.memory_space<vmem>>) offsets(%arg6 : memref<400xi32, #tpu.memory_space<vmem>>) semaphore(%arg18 : memref<!tpu.dma_semaphore, #tpu.memory_space<semaphore_mem>>)
      %add3A_369 = arith.constant 4 : i32
      %add3A_370 = arith.addi %add3A_337, %add3A_369 : i32
      %mul3A_371 = arith.constant 400 : i32
      %mul3A_372 = arith.muli %add3A_370, %mul3A_371 : i32
      %add3A_373 = arith.addi %mul3A_2, %mul3A_372 : i32
      %dma_start3A_374 = tpu.memref_slice %arg2[%add3A_373] : memref<819200xi32, #tpu.memory_space<hbm>> -> memref<400xi32, #tpu.memory_space<hbm>>
      %dma_start3A_375 = tpu.memref_slice %arg2[%add3A_373] : memref<819200xi32, #tpu.memory_space<hbm>> -> memref<400xi32, #tpu.memory_space<hbm>>
      tpu.enqueue_dma source(%dma_start3A_375 : memref<400xi32, #tpu.memory_space<hbm>>) target(%arg8 : memref<400xi32, #tpu.memory_space<vmem>>) target_semaphore(%arg16 : memref<!tpu.dma_semaphore, #tpu.memory_space<semaphore_mem>>)
    }
    %scan3A_127 = arith.constant 14 : i32
    %dma_wait3A_128 = arith.constant 0 : i32
    %dma_wait3A_129 = arith.constant 0 : i32
    %dma_wait3A_130 = tpu.memref_slice %arg3[%dma_wait3A_128, %dma_wait3A_129] : memref<1000000x64xf32, #tpu.memory_space<hbm>> -> memref<1000000x64xf32, #tpu.memory_space<hbm>>
    tpu.wait_indirect_dma semaphore(%arg17 : memref<!tpu.dma_semaphore, #tpu.memory_space<semaphore_mem>>) src(%dma_wait3A_130 : memref<1000000x64xf32, #tpu.memory_space<hbm>>) dst(%arg9 : memref<400x64xf32, #tpu.memory_space<vmem>>)
    %add3A_131 = arith.constant 24000 : i32
    %add3A_132 = arith.addi %mul3A_2, %add3A_131 : i32
    %dma_start3A_133 = arith.constant 0 : i32
    %dma_start3A_134 = tpu.memref_slice %arg4[%add3A_132, %dma_start3A_133] : memref<819200x64xf32, #tpu.memory_space<hbm>> -> memref<400x64xf32, #tpu.memory_space<hbm>>
    %dma_start3A_135 = arith.constant 0 : i32
    %dma_start3A_136 = tpu.memref_slice %arg4[%add3A_132, %dma_start3A_135] : memref<819200x64xf32, #tpu.memory_space<hbm>> -> memref<400x64xf32, #tpu.memory_space<hbm>>
    tpu.enqueue_dma source(%arg9 : memref<400x64xf32, #tpu.memory_space<vmem>>) target(%dma_start3A_136 : memref<400x64xf32, #tpu.memory_space<hbm>>) target_semaphore(%arg21 : memref<!tpu.dma_semaphore, #tpu.memory_space<semaphore_mem>>)
    %add3A_137 = arith.constant 23200 : i32
    %add3A_138 = arith.addi %mul3A_2, %add3A_137 : i32
    %dma_wait3A_139 = arith.constant 0 : i32
    %dma_wait3A_140 = tpu.memref_slice %arg4[%add3A_138, %dma_wait3A_139] : memref<819200x64xf32, #tpu.memory_space<hbm>> -> memref<400x64xf32, #tpu.memory_space<hbm>>
    %dma_wait3A_141 = arith.constant 0 : i32
    %dma_wait3A_142 = tpu.memref_slice %arg4[%add3A_138, %dma_wait3A_141] : memref<819200x64xf32, #tpu.memory_space<hbm>> -> memref<400x64xf32, #tpu.memory_space<hbm>>
    tpu.wait_dma2 semaphore(%arg23 : memref<!tpu.dma_semaphore, #tpu.memory_space<semaphore_mem>>) src(%arg11 : memref<400x64xf32, #tpu.memory_space<vmem>>) dst(%dma_wait3A_142 : memref<400x64xf32, #tpu.memory_space<hbm>>)
    %add3A_143 = arith.constant 24800 : i32
    %add3A_144 = arith.addi %mul3A_2, %add3A_143 : i32
    %dma_wait3A_145 = tpu.memref_slice %arg2[%add3A_144] : memref<819200xi32, #tpu.memory_space<hbm>> -> memref<400xi32, #tpu.memory_space<hbm>>
    %dma_wait3A_146 = tpu.memref_slice %arg2[%add3A_144] : memref<819200xi32, #tpu.memory_space<hbm>> -> memref<400xi32, #tpu.memory_space<hbm>>
    tpu.wait_dma2 semaphore(%arg15 : memref<!tpu.dma_semaphore, #tpu.memory_space<semaphore_mem>>) src(%dma_wait3A_146 : memref<400xi32, #tpu.memory_space<hbm>>) dst(%arg7 : memref<400xi32, #tpu.memory_space<vmem>>)
    %dma_start3A_147 = arith.constant 0 : i32
    %dma_start3A_148 = arith.constant 0 : i32
    %dma_start3A_149 = tpu.memref_slice %arg3[%dma_start3A_147, %dma_start3A_148] : memref<1000000x64xf32, #tpu.memory_space<hbm>> -> memref<1000000x64xf32, #tpu.memory_space<hbm>>
    tpu.enqueue_indirect_dma source(%dma_start3A_149 : memref<1000000x64xf32, #tpu.memory_space<hbm>>) target(%arg11 : memref<400x64xf32, #tpu.memory_space<vmem>>) offsets(%arg7 : memref<400xi32, #tpu.memory_space<vmem>>) semaphore(%arg19 : memref<!tpu.dma_semaphore, #tpu.memory_space<semaphore_mem>>)
    %dma_wait3A_150 = arith.constant 0 : i32
    %dma_wait3A_151 = arith.constant 0 : i32
    %dma_wait3A_152 = tpu.memref_slice %arg3[%dma_wait3A_150, %dma_wait3A_151] : memref<1000000x64xf32, #tpu.memory_space<hbm>> -> memref<1000000x64xf32, #tpu.memory_space<hbm>>
    tpu.wait_indirect_dma semaphore(%arg18 : memref<!tpu.dma_semaphore, #tpu.memory_space<semaphore_mem>>) src(%dma_wait3A_152 : memref<1000000x64xf32, #tpu.memory_space<hbm>>) dst(%arg10 : memref<400x64xf32, #tpu.memory_space<vmem>>)
    %add3A_153 = arith.constant 24400 : i32
    %add3A_154 = arith.addi %mul3A_2, %add3A_153 : i32
    %dma_start3A_155 = arith.constant 0 : i32
    %dma_start3A_156 = tpu.memref_slice %arg4[%add3A_154, %dma_start3A_155] : memref<819200x64xf32, #tpu.memory_space<hbm>> -> memref<400x64xf32, #tpu.memory_space<hbm>>
    %dma_start3A_157 = arith.constant 0 : i32
    %dma_start3A_158 = tpu.memref_slice %arg4[%add3A_154, %dma_start3A_157] : memref<819200x64xf32, #tpu.memory_space<hbm>> -> memref<400x64xf32, #tpu.memory_space<hbm>>
    tpu.enqueue_dma source(%arg10 : memref<400x64xf32, #tpu.memory_space<vmem>>) target(%dma_start3A_158 : memref<400x64xf32, #tpu.memory_space<hbm>>) target_semaphore(%arg22 : memref<!tpu.dma_semaphore, #tpu.memory_space<semaphore_mem>>)
    %add3A_159 = arith.constant 23600 : i32
    %add3A_160 = arith.addi %mul3A_2, %add3A_159 : i32
    %dma_wait3A_161 = arith.constant 0 : i32
    %dma_wait3A_162 = tpu.memref_slice %arg4[%add3A_160, %dma_wait3A_161] : memref<819200x64xf32, #tpu.memory_space<hbm>> -> memref<400x64xf32, #tpu.memory_space<hbm>>
    %dma_wait3A_163 = arith.constant 0 : i32
    %dma_wait3A_164 = tpu.memref_slice %arg4[%add3A_160, %dma_wait3A_163] : memref<819200x64xf32, #tpu.memory_space<hbm>> -> memref<400x64xf32, #tpu.memory_space<hbm>>
    tpu.wait_dma2 semaphore(%arg24 : memref<!tpu.dma_semaphore, #tpu.memory_space<semaphore_mem>>) src(%arg12 : memref<400x64xf32, #tpu.memory_space<vmem>>) dst(%dma_wait3A_164 : memref<400x64xf32, #tpu.memory_space<hbm>>)
    %add3A_165 = arith.constant 25200 : i32
    %add3A_166 = arith.addi %mul3A_2, %add3A_165 : i32
    %dma_wait3A_167 = tpu.memref_slice %arg2[%add3A_166] : memref<819200xi32, #tpu.memory_space<hbm>> -> memref<400xi32, #tpu.memory_space<hbm>>
    %dma_wait3A_168 = tpu.memref_slice %arg2[%add3A_166] : memref<819200xi32, #tpu.memory_space<hbm>> -> memref<400xi32, #tpu.memory_space<hbm>>
    tpu.wait_dma2 semaphore(%arg16 : memref<!tpu.dma_semaphore, #tpu.memory_space<semaphore_mem>>) src(%dma_wait3A_168 : memref<400xi32, #tpu.memory_space<hbm>>) dst(%arg8 : memref<400xi32, #tpu.memory_space<vmem>>)
    %dma_start3A_169 = arith.constant 0 : i32
    %dma_start3A_170 = arith.constant 0 : i32
    %dma_start3A_171 = tpu.memref_slice %arg3[%dma_start3A_169, %dma_start3A_170] : memref<1000000x64xf32, #tpu.memory_space<hbm>> -> memref<1000000x64xf32, #tpu.memory_space<hbm>>
    tpu.enqueue_indirect_dma source(%dma_start3A_171 : memref<1000000x64xf32, #tpu.memory_space<hbm>>) target(%arg12 : memref<400x64xf32, #tpu.memory_space<vmem>>) offsets(%arg8 : memref<400xi32, #tpu.memory_space<vmem>>) semaphore(%arg20 : memref<!tpu.dma_semaphore, #tpu.memory_space<semaphore_mem>>)
    %dma_wait3A_172 = arith.constant 0 : i32
    %dma_wait3A_173 = arith.constant 0 : i32
    %dma_wait3A_174 = tpu.memref_slice %arg3[%dma_wait3A_172, %dma_wait3A_173] : memref<1000000x64xf32, #tpu.memory_space<hbm>> -> memref<1000000x64xf32, #tpu.memory_space<hbm>>
    tpu.wait_indirect_dma semaphore(%arg19 : memref<!tpu.dma_semaphore, #tpu.memory_space<semaphore_mem>>) src(%dma_wait3A_174 : memref<1000000x64xf32, #tpu.memory_space<hbm>>) dst(%arg11 : memref<400x64xf32, #tpu.memory_space<vmem>>)
    %add3A_175 = arith.constant 24800 : i32
    %add3A_176 = arith.addi %mul3A_2, %add3A_175 : i32
    %dma_start3A_177 = arith.constant 0 : i32
    %dma_start3A_178 = tpu.memref_slice %arg4[%add3A_176, %dma_start3A_177] : memref<819200x64xf32, #tpu.memory_space<hbm>> -> memref<400x64xf32, #tpu.memory_space<hbm>>
    %dma_start3A_179 = arith.constant 0 : i32
    %dma_start3A_180 = tpu.memref_slice %arg4[%add3A_176, %dma_start3A_179] : memref<819200x64xf32, #tpu.memory_space<hbm>> -> memref<400x64xf32, #tpu.memory_space<hbm>>
    tpu.enqueue_dma source(%arg11 : memref<400x64xf32, #tpu.memory_space<vmem>>) target(%dma_start3A_180 : memref<400x64xf32, #tpu.memory_space<hbm>>) target_semaphore(%arg23 : memref<!tpu.dma_semaphore, #tpu.memory_space<semaphore_mem>>)
    %dma_wait3A_181 = arith.constant 0 : i32
    %dma_wait3A_182 = arith.constant 0 : i32
    %dma_wait3A_183 = tpu.memref_slice %arg3[%dma_wait3A_181, %dma_wait3A_182] : memref<1000000x64xf32, #tpu.memory_space<hbm>> -> memref<1000000x64xf32, #tpu.memory_space<hbm>>
    tpu.wait_indirect_dma semaphore(%arg20 : memref<!tpu.dma_semaphore, #tpu.memory_space<semaphore_mem>>) src(%dma_wait3A_183 : memref<1000000x64xf32, #tpu.memory_space<hbm>>) dst(%arg12 : memref<400x64xf32, #tpu.memory_space<vmem>>)
    %add3A_184 = arith.constant 25200 : i32
    %add3A_185 = arith.addi %mul3A_2, %add3A_184 : i32
    %dma_start3A_186 = arith.constant 0 : i32
    %dma_start3A_187 = tpu.memref_slice %arg4[%add3A_185, %dma_start3A_186] : memref<819200x64xf32, #tpu.memory_space<hbm>> -> memref<400x64xf32, #tpu.memory_space<hbm>>
    %dma_start3A_188 = arith.constant 0 : i32
    %dma_start3A_189 = tpu.memref_slice %arg4[%add3A_185, %dma_start3A_188] : memref<819200x64xf32, #tpu.memory_space<hbm>> -> memref<400x64xf32, #tpu.memory_space<hbm>>
    tpu.enqueue_dma source(%arg12 : memref<400x64xf32, #tpu.memory_space<vmem>>) target(%dma_start3A_189 : memref<400x64xf32, #tpu.memory_space<hbm>>) target_semaphore(%arg24 : memref<!tpu.dma_semaphore, #tpu.memory_space<semaphore_mem>>)
    %add3A_190 = arith.constant 24000 : i32
    %add3A_191 = arith.addi %mul3A_2, %add3A_190 : i32
    %dma_wait3A_192 = arith.constant 0 : i32
    %dma_wait3A_193 = tpu.memref_slice %arg4[%add3A_191, %dma_wait3A_192] : memref<819200x64xf32, #tpu.memory_space<hbm>> -> memref<400x64xf32, #tpu.memory_space<hbm>>
    %dma_wait3A_194 = arith.constant 0 : i32
    %dma_wait3A_195 = tpu.memref_slice %arg4[%add3A_191, %dma_wait3A_194] : memref<819200x64xf32, #tpu.memory_space<hbm>> -> memref<400x64xf32, #tpu.memory_space<hbm>>
    tpu.wait_dma2 semaphore(%arg21 : memref<!tpu.dma_semaphore, #tpu.memory_space<semaphore_mem>>) src(%arg9 : memref<400x64xf32, #tpu.memory_space<vmem>>) dst(%dma_wait3A_195 : memref<400x64xf32, #tpu.memory_space<hbm>>)
    %add3A_196 = arith.constant 24400 : i32
    %add3A_197 = arith.addi %mul3A_2, %add3A_196 : i32
    %dma_wait3A_198 = arith.constant 0 : i32
    %dma_wait3A_199 = tpu.memref_slice %arg4[%add3A_197, %dma_wait3A_198] : memref<819200x64xf32, #tpu.memory_space<hbm>> -> memref<400x64xf32, #tpu.memory_space<hbm>>
    %dma_wait3A_200 = arith.constant 0 : i32
    %dma_wait3A_201 = tpu.memref_slice %arg4[%add3A_197, %dma_wait3A_200] : memref<819200x64xf32, #tpu.memory_space<hbm>> -> memref<400x64xf32, #tpu.memory_space<hbm>>
    tpu.wait_dma2 semaphore(%arg22 : memref<!tpu.dma_semaphore, #tpu.memory_space<semaphore_mem>>) src(%arg10 : memref<400x64xf32, #tpu.memory_space<vmem>>) dst(%dma_wait3A_201 : memref<400x64xf32, #tpu.memory_space<hbm>>)
    %add3A_202 = arith.constant 24800 : i32
    %add3A_203 = arith.addi %mul3A_2, %add3A_202 : i32
    %dma_wait3A_204 = arith.constant 0 : i32
    %dma_wait3A_205 = tpu.memref_slice %arg4[%add3A_203, %dma_wait3A_204] : memref<819200x64xf32, #tpu.memory_space<hbm>> -> memref<400x64xf32, #tpu.memory_space<hbm>>
    %dma_wait3A_206 = arith.constant 0 : i32
    %dma_wait3A_207 = tpu.memref_slice %arg4[%add3A_203, %dma_wait3A_206] : memref<819200x64xf32, #tpu.memory_space<hbm>> -> memref<400x64xf32, #tpu.memory_space<hbm>>
    tpu.wait_dma2 semaphore(%arg23 : memref<!tpu.dma_semaphore, #tpu.memory_space<semaphore_mem>>) src(%arg11 : memref<400x64xf32, #tpu.memory_space<vmem>>) dst(%dma_wait3A_207 : memref<400x64xf32, #tpu.memory_space<hbm>>)
    %add3A_208 = arith.constant 25200 : i32
    %add3A_209 = arith.addi %mul3A_2, %add3A_208 : i32
    %dma_wait3A_210 = arith.constant 0 : i32
    %dma_wait3A_211 = tpu.memref_slice %arg4[%add3A_209, %dma_wait3A_210] : memref<819200x64xf32, #tpu.memory_space<hbm>> -> memref<400x64xf32, #tpu.memory_space<hbm>>
    %dma_wait3A_212 = arith.constant 0 : i32
    %dma_wait3A_213 = tpu.memref_slice %arg4[%add3A_209, %dma_wait3A_212] : memref<819200x64xf32, #tpu.memory_space<hbm>> -> memref<400x64xf32, #tpu.memory_space<hbm>>
    tpu.wait_dma2 semaphore(%arg24 : memref<!tpu.dma_semaphore, #tpu.memory_space<semaphore_mem>>) src(%arg12 : memref<400x64xf32, #tpu.memory_space<vmem>>) dst(%dma_wait3A_213 : memref<400x64xf32, #tpu.memory_space<hbm>>)
    return
  }
}

</mosaic_0001>

<sc_bundles>
// kernel: kernel.3.cloned.1.call-start
scs
__scs_entry_jumppad:
0x0: {  	(pc) =	sbr.rel $0x88, $3  }
0x1: {  	(tag) =	ssettag $0x0;
	lr =	simm.s32 $0x1  }
0x2: {  	[smem:$0x3F9F] =	sst lr;
	_ =	strace $0xD0000000  }
0x3: {  	_ = 	snop  }
0x4: {  	_ = 	snop  }
0x5: {  	_ = 	snop  }
0x6: {  	_ = 	snop  }
0x7: {  	_ = 	snop  }
__scs_overlays_trampoline_lowered:
0x8: {  	[smem:$0x3FAE] =	sst s0  }
0x9: {  	[smem:$0x3FAF] =	sst s1  }
0xa: {  	[smem:$0x3FB0] =	sst s2  }
0xb: {  	[smem:$0x3FB1] =	sst s3  }
0xc: {  	[smem:$0x3FB2] =	sst s4  }
0xd: {  	[smem:$0x3FB3] =	sst s5  }
0xe: {  	[smem:$0x3FB4] =	sst s6  }
0xf: {  	[smem:$0x3FB5] =	sst s7  }
0x10: {  	[smem:$0x3FB6] =	sst s8  }
0x11: {  	[smem:$0x3FB7] =	sst s9;
	s0 =	simm.s32 @!p0 $0x0  }
0x12: {  	s1 =	sld [smem:$0x3F9D];
	s0 =	simm.s32 @p0 $0x1  }
0x13: {  	[smem:$0x3FB8] =	sst s0;
	s0 =	simm.s32 @!p1 $0x0  }
0x14: {  	s2 =	sld [smem:$0x3F9C];
	s0 =	simm.s32 @p1 $0x1  }
0x15: {  	[smem:$0x3FB9] =	sst s0;
	s0 =	simm.s32 @!p2 $0x0  }
0x16: {  	s3 =	sld [smem:$0x3FDB];
	s0 =	simm.s32 @p2 $0x1  }
0x17: {  	s4 =	simm.s32 $0x1BF5;
	[smem:$0x3FBB] =	sst s0  }
0x18: {  	s0 =	sld [smem:$0x3F9E];
	_ =	swait.ge [sflag:s4], $0x0  }
0x19: {  	s7 =	sld [smem:$0x3F9F]  }
0x1a: {  	s8 =	sadd.s32 $0xFFFFE003, lr  }
0x1b: {  	s9 =	sadd.s32 $0xFFFFFEF7, lr;
	s5 =	simm.s32 $0xFFFFFFFF;
	p2 =	slt.u32 s8, $0xFFFFF086  }
0x1c: {  	p1 =	slt.u32 s9, $0xF7A;
	s5 =	simm.s32 @!p2 $0x0  }
0x1d: {  	s5 =	simm.s32 @p1 $0x1;
	p0 =	seq.s32 s7, s2  }
0x1e: {  	s7 =	smul.u32 @!p0 $0xF7A, s2;
	p2 =	seq.s32 @!p0 s5, $0x0  }
0x1f: {  	s9 =	smul.u32 $0xF7A, s1;
	s8 =	simm.s32 @!p0 $0x1BF5;
	p2 =	por !p2, p0  }
0x20: {  	[sflag:s8] =	ssyncset.s32 @!p0 $0xFFFFF086;
	s6 =	sadd.s32 @!p0 s3, s7;
	s7 =	simm.s32 @!p0 $0x108  }
0x21: {  	s3 =	sadd.s32 s3, s9;
	s6 =	sadd.s32 @!p0 $0x88, s6;
	s7 =	simm.s32 @p2 $0x1082  }
0x22: {  	[simem:s7], [sflag:s8] =	dma.local @!p0 [hbm:s6], $0xF7A  }
0x23: {  	s9 =	sor.u32 $0xD0000000, s2;
	s6 =	simm.s32 $0x108;
	_ =	swait.ge @!p0 [sflag:s8], $0x0  }
0x24: {  	s3 =	sadd.s32 $0x88, s3;
	s6 =	simm.s32 @!p1 $0x1082;
	[sflag:s4] =	ssyncset.s32 $0xFFFFF086  }
0x25: {  	[simem:s6], [sflag:s4] =	dma.local [hbm:s3], $0xF7A  }
0x26: {  	[smem:$0x3F9F] =	sst s1;
	(tag) =	ssettag s2;
	_ =	strace s9  }
0x27: {  	s1 =	sld [smem:$0x3FAF]  }
0x28: {  	s2 =	sld [smem:$0x3FB0]  }
0x29: {  	s4 =	sld [smem:$0x3FB2]  }
0x2a: {  	p0 =	seq.s32 s5, $0x0;
	s5 =	sld [smem:$0x3FB3]  }
0x2b: {  	s6 =	sld [smem:$0x3FB4]  }
0x2c: {  	s7 =	sld [smem:$0x3FB5]  }
0x2d: {  	s3 =	simm.s32 $0x108;
	s8 =	sld [smem:$0x3FB6]  }
0x2e: {  	s3 =	simm.s32 @!p0 $0x1082;
	s9 =	sld [smem:$0x3FB7]  }
0x2f: {  	lr =	sadd.s32 s0, s3;
	s0 =	sld [smem:$0x3FAE]  }
0x30: {  	s3 =	sld [smem:$0x3FB1]  }
0x31: {  	[smem:$0x3FBA] =	sst s10  }
0x32: {  	s10 =	sld [smem:$0x3FB8];
	_ =	sdelay $0x3  }
0x33: {  	p0 =	seq.s32 s10, $0x1;
	s10 =	sld [smem:$0x3FBA];
	_ =	sdelay $0x3  }
0x34: {  	[smem:$0x3FBA] =	sst s10  }
0x35: {  	s10 =	sld [smem:$0x3FB9];
	_ =	sdelay $0x3  }
0x36: {  	p1 =	seq.s32 s10, $0x1;
	s10 =	sld [smem:$0x3FBA];
	_ =	sdelay $0x3  }
0x37: {  	[smem:$0x3FBA] =	sst s10  }
0x38: {  	s10 =	sld [smem:$0x3FBB]  }
0x39: {  	_ = 	snop;
	(pc) =	sbr.ind lr, $3  }
0x3a: {  	_ = 	snop  }
0x3b: {  	_ = 	snop  }
0x3c: {  	p2 =	seq.s32 s10, $0x1;
	s10 =	sld [smem:$0x3FBA]  }
0x3d: {  	_ =	shalt  }
0x3e: {  	_ =	shalt  }
0x3f: {  	_ =	shalt  }
0x40: {  	_ =	shalt  }
0x41: {  	_ =	shalt  }
0x42: {  	_ =	shalt  }
0x43: {  	_ =	shalt  }
0x44: {  	_ =	shalt  }
0x45: {  	_ =	shalt  }
0x46: {  	_ =	shalt  }
0x47: {  	_ =	shalt  }
0x48: {  	_ =	shalt  }
0x49: {  	_ =	shalt  }
0x4a: {  	_ =	shalt  }
0x4b: {  	_ =	shalt  }
0x4c: {  	_ =	shalt  }
0x4d: {  	_ =	shalt  }
0x4e: {  	_ =	shalt  }
0x4f: {  	_ =	shalt  }
0x50: {  	_ =	shalt  }
0x51: {  	_ =	shalt  }
0x52: {  	_ =	shalt  }
0x53: {  	_ =	shalt  }
0x54: {  	_ =	shalt  }
0x55: {  	_ =	shalt  }
0x56: {  	_ =	shalt  }
0x57: {  	_ =	shalt  }
0x58: {  	_ =	shalt  }
0x59: {  	_ =	shalt  }
0x5a: {  	_ =	shalt  }
0x5b: {  	_ =	shalt  }
0x5c: {  	_ =	shalt  }
0x5d: {  	_ =	shalt  }
0x5e: {  	_ =	shalt  }
0x5f: {  	_ =	shalt  }
0x60: {  	_ =	shalt  }
0x61: {  	_ =	shalt  }
0x62: {  	_ =	shalt  }
0x63: {  	_ =	shalt  }
0x64: {  	_ =	shalt  }
0x65: {  	_ =	shalt  }
0x66: {  	_ =	shalt  }
0x67: {  	_ =	shalt  }
0x68: {  	_ =	shalt  }
0x69: {  	_ =	shalt  }
0x6a: {  	_ =	shalt  }
0x6b: {  	_ =	shalt  }
0x6c: {  	_ =	shalt  }
0x6d: {  	_ =	shalt  }
0x6e: {  	_ =	shalt  }
0x6f: {  	_ =	shalt  }
0x70: {  	_ =	shalt  }
0x71: {  	_ =	shalt  }
0x72: {  	_ =	shalt  }
0x73: {  	_ =	shalt  }
0x74: {  	_ =	shalt  }
0x75: {  	_ =	shalt  }
0x76: {  	_ =	shalt  }
0x77: {  	_ =	shalt  }
0x78: {  	_ =	shalt  }
0x79: {  	_ =	shalt  }
0x7a: {  	_ =	shalt  }
0x7b: {  	_ =	shalt  }
0x7c: {  	_ =	shalt  }
0x7d: {  	_ =	shalt  }
0x7e: {  	_ =	shalt  }
0x7f: {  	_ =	shalt  }
0x80: {  	_ =	shalt  }
0x81: {  	_ =	shalt  }
0x82: {  	_ =	shalt  }
0x83: {  	_ =	shalt  }
0x84: {  	_ =	shalt  }
0x85: {  	_ =	shalt  }
0x86: {  	_ =	shalt  }
0x87: {  	_ =	shalt  }
.Lfunc_end0:
.L_simem_size_0:
called_computation.1_lowered:
.L_overlay_start_0:
0x88: {  	s2 =	sld [smem:$0x3FD9]  }
0x89: {  	s3 =	sld [smem:$0x3FFE];
	_ =	sdelay $0x1  }
0x8a: {  	s1 =	srdreg.scid  }
0x8b: {  	s0 =	sand.u32 $0x1, s1  }
0x8c: {  	s17 =	sshll.u32 s0, $0xA;
	s2 =	sadd.s32 s3, s2  }
0x8d: {  	s2 =	sadd.s32 s2, s17  }
0x8e: {  	[smem:$0x3FC6] =	sst s2  }
0x8f: {  	_ = 	snop  }
0x90: {  	s2 =	sld [smem:$0x3FD0];
	(tm) =	ssettm $0x1  }
0x91: {  	s18 =	sld [smem:$0x3FFB];
	_ =	sdelay $0x3  }
0x92: {  	_ =	strace s18  }
0x93: {  	s3 =	sld [smem:$0x3FFC];
	_ =	sdelay $0x3  }
0x94: {  	_ =	strace s3  }
0x95: {  	s3 =	sld [smem:$0x3FFD];
	_ =	sdelay $0x3  }
0x96: {  	_ =	strace s3  }
0x97: {  	_ =	strace $0x8FFFFFFF  }
0x98: {  	s19 =	sld [smem:$0x3FDB];
	_ =	sdelay $0x1  }
0x99: {  	s4 =	simm.s32 $_scs_section_size  }
0x9a: {  	s5 =	simm.s32 $_size__tile_overlayer_lowered;
	s6 =	simm.s32 $_tile_overlayer_lowered  }
0x9b: {  	s22 =	simm.s32 $0x1BFF;
	s21 =	sshll.u32 s6, $0x1;
	s3 =	sadd.s32 s4, s19  }
0x9c: {  	s7 =	simm.s32 $0x0;
	s20 =	sshll.u32 s5, $0x1;
	s5 =	sadd.s32 s21, s3  }
0x9d: {  	[timem:s7], [sflag:s22] =	dma.local [hbm:s5], s20  }
0x9e: {  	_ =	swait.ge [sflag:s22], s20  }
0x9f: {  	s4 =	ssub.s32 $0x0, s20;
	[sflag:s22] =	ssyncset.done $0x0  }
0xa0: {  	[sflag:s22] =	ssyncadd.s32 s4;
	_ =	sdelay $0x1  }
0xa1: {  	s23 =	simm.s32 $0x1B8B  }
0xa2: {  	_ =	swait.ge [sflag:s23], $0x1  }
0xa3: {  	[sflag:s23] =	ssyncset.done $0x0  }
0xa4: {  	s25 =	simm.s32 $0x1B8E;
	s24 =	sld [smem:$0x3FFE];
	[sflag:s23] =	ssyncadd.s32 $0xFFFFFFFF  }
0xa5: {  	s26 =	simm.s32 $execute0_lowered;
	[smem:$0x3FD2] =	sst s25  }
0xa6: {  	s5 =	sshll.u32 s26, $0x1;
	_ =	strace $0x80000046;
	[dreg:$0x1] =	wrdreg $0xFFFFFFFF  }
0xa7: {  	s28 =	simm.s32 $_size_execute0_lowered;
	s3 =	sadd.s32 s3, s5;
	[dreg:$0x0] =	wrdreg $0x0  }
0xa8: {  	s5 =	sshll.u32 s28, $0x1;
	[dreg:$0x2] =	wrdreg s3  }
0xa9: {  	[dreg:$0x3] =	wrdreg s5  }
0xaa: {  	[dreg:$0x4] =	wrdreg $0xC0  }
0xab: {  	_ =	task [dreg:s7], $0x5FFFF  }
0xac: {  	[dreg:$0x1] =	wrdreg $0xFFFFFFFF  }
0xad: {  	[dreg:$0x0] =	wrdreg $0x60  }
0xae: {  	[dreg:$0x2] =	wrdreg s24  }
0xaf: {  	[dreg:$0x3] =	wrdreg s2  }
0xb0: {  	[dreg:$0x4] =	wrdreg $0x9  }
0xb1: {  	_ =	task.clear_ibuf [dreg:s7], $0x5FFFF;
	_ =	strace $0x90000046  }
0xb2: {  	s29 =	simm.s32 $0x9;
	_ =	strace $0x80000048  }
0xb3: {  	_ =	swait.ge [sflag:s29], $0x1  }
0xb4: {  	[sflag:s29] =	ssyncadd.s32 $0xFFFFFFFF  }
0xb5: {  	_ =	strace $0x90000048  }
0xb6: {  	_ =	sfence  }
0xb7: {  	s30 =	sld [smem:$0x0];
	_ =	sdelay $0x2  }
0xb8: {  	s31 =	sshll.u32 s1, $0xD;
	s1 =	sshrl.u32 s1, $0x2  }
0xb9: {  	s3 =	sand.u32 $0x4000, s31;
	s1 =	sadd.s32 s1, s30  }
0xba: {  	s0 =	sor.u32 s3, s0;
	s1 =	sshll.u32 s1, $0x11  }
0xbb: {  	s0 =	sor.u32 s1, s0  }
0xbc: {  	s0 =	sadd.s32 $0x8F2B, s0  }
0xbd: {  	[sflag:s0] =	ssyncadd.remote.s32 $0x1  }
0xbe: {  	_ =	sfence.sel $0xFFFF  }
0xbf: {  	[dreg:$0x0] =	wrdreg $0xFFFFFFFF;
	(pc) =	sbr.abs _section_cstart, $3  }
0xc0: {  	[dreg:$0x1] =	wrdreg $0xFFFFFFFF  }
0xc1: {  	_ =	task.clear_ibuf [dreg:s7], $0x2FFFF;
	_ =	strace $0x9FFFFFFF  }
0xc2: {  	(tm) =	ssettm $0x7FFFFFFF  }
0xc3: {  	_ =	shalt  }
tec
execute0_lowered:
.L_overlay_start_1:
0x0: {  	(tag) =	ssettag $0x1  }
0x1: {  	s1 =	rddreg [dreg:$0x0]  }
0x2: {  	s0 =	rddreg [dreg:$0x1];
	s3 =	srdreg.scid  }
0x3: {  	s13 =	stileid.u32;
	s2 =	simm.s32 $0x0;
	s28 =	simm.s32 $0x4B0  }
0x4: {  	s29 =	simm.s32 $0x1;
	s30 =	simm.s32 $0x640;
	s31 =	simm.s32 $0x2  }
0x5: {  	s4 =	sand.u32 $0x1, s3;
	s18 =	sshll.u32 s13, $0x1;
	[smem:$0x7FF] =	sst s2  }
0x6: {  	s5 =	sor.u32 s4, s18;
	s19 =	ssub.s32 $0x2, s4;
	s4 =	smul.u32 $0x6400, s4  }
0x7: {  	s7 =	sadd.s32 $0xA00, s1;
	s3 =	sadd.s32 $0xF42E00, s1;
	s6 =	smul.u32 $0x6400, s5  }
0x8: {  	_ =	strace $0x80000047;
	s8 =	sshrl.u32 s19, $0x1;
	s11 =	smul.u32 $0x32000, s5  }
0x9: {  	s5 =	smul.u32 $0x190000, s5;
	s1 =	ssub.s32 s19, s8;
	s9 =	sshrl.u32 s6, $0x3  }
0xa: {  	s10 =	sor.u32 $0x190, s6;
	s21 =	sor.u32 $0x320, s6;
	s6 =	sadd.s32 $0x4B0, s6  }
0xb: {  	s24 =	sadd.s32 s0, s11;
	s11 =	smul.u32 $0xC800, s13;
	s5 =	sshrl.u32 s5, $0x3  }
0xc: {  	s1 =	smax.u32 s1, $0x1;
	s14 =	sadd.s32 s7, s9;
	[dreg:$0xb] =	wrdreg s24  }
0xd: {  	s20 =	sshrl.u32 s10, $0x3;
	s22 =	sshrl.u32 s21, $0x3;
	[dreg:$0x17] =	wrdreg s1  }
0xe: {  	s12 =	sshrl.u32 s6, $0x3;
	s8 =	sadd.s32 s7, s20;
	[dreg:$0x7] =	wrdreg s14  }
0xf: {  	s26 =	sshll.u32 s10, $0x3;
	s23 =	sadd.s32 s7, s12;
	[dreg:$0x8] =	wrdreg s8  }
0x10: {  	s9 =	sshll.u32 s21, $0x3;
	s25 =	sadd.s32 $0xC8, s14;
	[dreg:$0xa] =	wrdreg s23  }
0x11: {  	s6 =	sshll.u32 s6, $0x3;
	s12 =	sadd.s32 $0xFA, s14;
	[dreg:$0xc] =	wrdreg s25  }
0x12: {  	s5 =	sadd.s32 s0, s5;
	s13 =	sadd.s32 $0x12C, s14;
	[dreg:$0xe] =	wrdreg s12  }
0x13: {  	s10 =	simm.s32 $0x7;
	s6 =	sadd.s32 s0, s6;
	[dreg:$0x10] =	wrdreg s13  }
0x14: {  	s4 =	sadd.s32 s4, s11;
	s15 =	sadd.s32 $0x15E, s14;
	[dreg:$0x11] =	wrdreg s6  }
0x15: {  	s16 =	sadd.s32 $0x2EE00, s5;
	s18 =	sadd.s32 $0x2FA80, s5;
	[dreg:$0x12] =	wrdreg s15  }
0x16: {  	s20 =	sadd.s32 $0x30700, s5;
	s5 =	sadd.s32 $0x31380, s5;
	[dreg:$0x13] =	wrdreg s16  }
0x17: {  	s11 =	simm.s32 $0x9;
	s14 =	simm.s32 $0xB;
	[dreg:$0x14] =	wrdreg s18  }
0x18: {  	s8 =	sadd.s32 s7, s22;
	s17 =	sadd.s32 $0x1130, s4;
	[dreg:$0x15] =	wrdreg s20  }
0x19: {  	s19 =	sadd.s32 $0xFA0, s4;
	[dreg:$0x16] =	wrdreg s5;
	s22 =	sadd.s32 $0xE10, s4  }
0x1a: {  	s23 =	sshll.u32 s4, $0x3;
	s4 =	sadd.s32 $0xC80, s4;
	s5 =	simm.s32 $0x3  }
0x1b: {  	s12 =	simm.s32 $0x8;
	s13 =	simm.s32 $0xA;
	s15 =	simm.s32 $0xC  }
0x1c: {  	s16 =	simm.s32 $0x0;
	[dreg:$0x9] =	wrdreg s8;
	s8 =	sadd.s32 s0, s26  }
0x1d: {  	s6 =	sshrl.u32 s17, $0x3;
	s1 =	sshrl.u32 s22, $0x3;
	s4 =	sshrl.u32 s4, $0x3  }
0x1e: {  	[dreg:$0xd] =	wrdreg s8;
	s8 =	sadd.s32 s0, s9;
	s6 =	sadd.s32 s6, s7  }
0x1f: {  	s1 =	sadd.s32 s1, s7;
	s0 =	sadd.s32 s0, s23;
	[dreg:$0xf] =	wrdreg s8  }
0x20: {  	s25 =	sadd.s32 s4, s7;
	s9 =	simm.s32 $0x13240;
	[dreg:$0x3] =	wrdreg s6  }
0x21: {  	s8 =	sshrl.u32 s19, $0x3;
	[dreg:$0x5] =	wrdreg s1;
	s24 =	sadd.s32 $0x5780, s0  }
0x22: {  	s26 =	sadd.s32 $0x3E80, s0;
	[dreg:$0x6] =	wrdreg s25;
	s23 =	sadd.s32 $0x4B00, s0  }
0x23: {  	s25 =	simm.s32 $0x190;
	s1 =	simm.s32 $0x5;
	[dreg:$0x18] =	wrdreg s24  }
0x24: {  	s6 =	simm.s32 $0xCE40;
	s21 =	sadd.s32 s8, s7;
	[dreg:$0x19] =	wrdreg s26  }
0x25: {  	s24 =	sadd.s32 $0x3200, s0;
	s26 =	simm.s32 $0x320;
	s0 =	simm.s32 $0x6A40  }
0x26: {  	s7 =	simm.s32 $0x6;
	s8 =	simm.s32 $0x4;
	[dreg:$0x4] =	wrdreg s21  }
.LBB2_1:
0x27: {  	s4 =	rddreg [dreg:$0x7]  }
0x28: {  	[tilespmem:s2], [sflag:$0x1] =	stream.linear.gather [hbm4b:s4+s2], $0x190, $0x38;
	[tilespmem:$0x19640] =	vst v63  }
0x29: {  	s19 =	rddreg [dreg:$0x8]  }
0x2a: {  	[tilespmem:s25], [sflag:$0x2] =	stream.linear.gather [hbm4b:s19+s2], $0x190, $0x38;
	[tilespmem:$0x19640] =	vst v63  }
0x2b: {  	s20 =	rddreg [dreg:$0x9]  }
0x2c: {  	[tilespmem:s26], [sflag:$0x3] =	stream.linear.gather [hbm4b:s20+s2], $0x190, $0x38;
	[tilespmem:$0x19640] =	vst v63  }
0x2d: {  	s21 =	rddreg [dreg:$0xa]  }
0x2e: {  	[tilespmem:s28], [sflag:$0x4] =	stream.linear.gather [hbm4b:s21+s2], $0x190, $0x38;
	[tilespmem:$0x19640] =	vst v63  }
0x2f: {  	_ =	swait.ge [sflag:s29], $0x190  }
0x30: {  	[sflag:s29] =	ssyncset.done $0x0  }
0x31: {  	[sflag:s29] =	ssyncadd.s32 $0xFFFFFE70  }
0x32: {  	[tilespmem:s30], [sflag:$0x5] =	stream.indirect.gather [hbm4b:s3+s25], $0x40, s2, s25, $0xb8;
	[tilespmem:$0x19640] =	vst v63  }
0x33: {  	_ =	swait.ge [sflag:s31], $0x190  }
0x34: {  	[sflag:s31] =	ssyncset.done $0x0  }
0x35: {  	[sflag:s31] =	ssyncadd.s32 $0xFFFFFE70  }
0x36: {  	[tilespmem:s0], [sflag:$0x6] =	stream.indirect.gather [hbm4b:s3+s25], $0x40, s25, s25, $0xb8;
	[tilespmem:$0x19640] =	vst v63  }
0x37: {  	_ =	swait.ge [sflag:s1], $0x6400  }
0x38: {  	[sflag:s1] =	ssyncset.done $0x0  }
0x39: {  	s22 =	rddreg [dreg:$0xb];
	[sflag:s1] =	ssyncadd.s32 $0xFFFF9C00  }
0x3a: {  	[hbm4b:s22+s2] =	stream.linear.scatter [tilespmem:s30], [sflag:$0x9], $0x6400, $0x38;
	[tilespmem:$0x19640] =	vst v63  }
0x3b: {  	_ =	swait.ge [sflag:s5], $0x190  }
0x3c: {  	[sflag:s5] =	ssyncset.done $0x0  }
0x3d: {  	[sflag:s5] =	ssyncadd.s32 $0xFFFFFE70  }
0x3e: {  	[tilespmem:s6], [sflag:$0x7] =	stream.indirect.gather [hbm4b:s3+s25], $0x40, s26, s25, $0xb8;
	[tilespmem:$0x19640] =	vst v63  }
0x3f: {  	s17 =	rddreg [dreg:$0xc]  }
0x40: {  	[tilespmem:s2], [sflag:$0x1] =	stream.linear.gather [hbm4b:s17+s2], $0x190, $0x38;
	[tilespmem:$0x19640] =	vst v63  }
0x41: {  	_ =	swait.ge [sflag:s7], $0x6400  }
0x42: {  	[sflag:s7] =	ssyncset.done $0x0  }
0x43: {  	s18 =	rddreg [dreg:$0xd];
	[sflag:s7] =	ssyncadd.s32 $0xFFFF9C00  }
0x44: {  	[hbm4b:s18+s2] =	stream.linear.scatter [tilespmem:s0], [sflag:$0xA], $0x6400, $0x38;
	[tilespmem:$0x19640] =	vst v63  }
0x45: {  	_ =	swait.ge [sflag:s8], $0x190  }
0x46: {  	[sflag:s8] =	ssyncset.done $0x0  }
0x47: {  	[sflag:s8] =	ssyncadd.s32 $0xFFFFFE70  }
0x48: {  	[tilespmem:s9], [sflag:$0x8] =	stream.indirect.gather [hbm4b:s3+s25], $0x40, s28, s25, $0xb8;
	[tilespmem:$0x19640] =	vst v63  }
0x49: {  	s19 =	rddreg [dreg:$0xe]  }
0x4a: {  	[tilespmem:s25], [sflag:$0x2] =	stream.linear.gather [hbm4b:s19+s2], $0x190, $0x38;
	[tilespmem:$0x19640] =	vst v63  }
0x4b: {  	_ =	swait.ge [sflag:s10], $0x6400  }
0x4c: {  	[sflag:s10] =	ssyncset.done $0x0  }
0x4d: {  	s20 =	rddreg [dreg:$0xf];
	[sflag:s10] =	ssyncadd.s32 $0xFFFF9C00  }
0x4e: {  	[hbm4b:s20+s2] =	stream.linear.scatter [tilespmem:s6], [sflag:$0xB], $0x6400, $0x38;
	[tilespmem:$0x19640] =	vst v63  }
0x4f: {  	_ =	swait.ge [sflag:s11], $0x6400  }
0x50: {  	[sflag:s11] =	ssyncset.done $0x0  }
0x51: {  	[sflag:s11] =	ssyncadd.s32 $0xFFFF9C00  }
0x52: {  	_ =	swait.ge [sflag:s29], $0x190  }
0x53: {  	[sflag:s29] =	ssyncset.done $0x0  }
0x54: {  	[sflag:s29] =	ssyncadd.s32 $0xFFFFFE70  }
0x55: {  	[tilespmem:s30], [sflag:$0x5] =	stream.indirect.gather [hbm4b:s3+s25], $0x40, s2, s25, $0xb8;
	[tilespmem:$0x19640] =	vst v63  }
0x56: {  	s21 =	rddreg [dreg:$0x10]  }
0x57: {  	[tilespmem:s26], [sflag:$0x3] =	stream.linear.gather [hbm4b:s21+s2], $0x190, $0x38;
	[tilespmem:$0x19640] =	vst v63  }
0x58: {  	_ =	swait.ge [sflag:s12], $0x6400  }
0x59: {  	[sflag:s12] =	ssyncset.done $0x0  }
0x5a: {  	s22 =	rddreg [dreg:$0x11];
	[sflag:s12] =	ssyncadd.s32 $0xFFFF9C00  }
0x5b: {  	[hbm4b:s22+s2] =	stream.linear.scatter [tilespmem:s9], [sflag:$0xC], $0x6400, $0x38;
	[tilespmem:$0x19640] =	vst v63  }
0x5c: {  	_ =	swait.ge [sflag:s13], $0x6400  }
0x5d: {  	[sflag:s13] =	ssyncset.done $0x0  }
0x5e: {  	[sflag:s13] =	ssyncadd.s32 $0xFFFF9C00  }
0x5f: {  	_ =	swait.ge [sflag:s31], $0x190  }
0x60: {  	[sflag:s31] =	ssyncset.done $0x0  }
0x61: {  	[sflag:s31] =	ssyncadd.s32 $0xFFFFFE70  }
0x62: {  	[tilespmem:s0], [sflag:$0x6] =	stream.indirect.gather [hbm4b:s3+s25], $0x40, s25, s25, $0xb8;
	[tilespmem:$0x19640] =	vst v63  }
0x63: {  	s17 =	rddreg [dreg:$0x12]  }
0x64: {  	[tilespmem:s28], [sflag:$0x4] =	stream.linear.gather [hbm4b:s17+s2], $0x190, $0x38;
	[tilespmem:$0x19640] =	vst v63  }
0x65: {  	_ =	swait.ge [sflag:s1], $0x6400  }
0x66: {  	[sflag:s1] =	ssyncset.done $0x0  }
0x67: {  	[sflag:s1] =	ssyncadd.s32 $0xFFFF9C00  }
0x68: {  	[hbm4b:s24+s2] =	stream.linear.scatter [tilespmem:s30], [sflag:$0x9], $0x6400, $0x38;
	[tilespmem:$0x19640] =	vst v63  }
0x69: {  	_ =	swait.ge [sflag:s14], $0x6400  }
0x6a: {  	[sflag:s14] =	ssyncset.done $0x0  }
0x6b: {  	[sflag:s14] =	ssyncadd.s32 $0xFFFF9C00  }
0x6c: {  	_ =	swait.ge [sflag:s5], $0x190  }
0x6d: {  	[sflag:s5] =	ssyncset.done $0x0  }
0x6e: {  	s18 =	rddreg [dreg:$0x6];
	[sflag:s5] =	ssyncadd.s32 $0xFFFFFE70  }
0x6f: {  	[tilespmem:s6], [sflag:$0x7] =	stream.indirect.gather [hbm4b:s3+s25], $0x40, s26, s25, $0xb8;
	[tilespmem:$0x19640] =	vst v63  }
0x70: {  	s4 =	sadd.s32 $0x0, s18  }
0x71: {  	[tilespmem:s2], [sflag:$0x1] =	stream.linear.gather [hbm4b:s4+s2], $0x190, $0x38;
	[tilespmem:$0x19640] =	vst v63  }
0x72: {  	_ =	swait.ge [sflag:s7], $0x6400  }
0x73: {  	[sflag:s7] =	ssyncset.done $0x0  }
0x74: {  	s22 =	rddreg [dreg:$0x19];
	[sflag:s7] =	ssyncadd.s32 $0xFFFF9C00  }
0x75: {  	[hbm4b:s22+s2] =	stream.linear.scatter [tilespmem:s0], [sflag:$0xA], $0x6400, $0x38;
	[tilespmem:$0x19640] =	vst v63  }
0x76: {  	_ =	swait.ge [sflag:s15], $0x6400  }
0x77: {  	[sflag:s15] =	ssyncset.done $0x0  }
0x78: {  	[sflag:s15] =	ssyncadd.s32 $0xFFFF9C00  }
0x79: {  	_ =	swait.ge [sflag:s8], $0x190  }
0x7a: {  	[sflag:s8] =	ssyncset.done $0x0  }
0x7b: {  	s19 =	rddreg [dreg:$0x5];
	[sflag:s8] =	ssyncadd.s32 $0xFFFFFE70  }
0x7c: {  	[tilespmem:s9], [sflag:$0x8] =	stream.indirect.gather [hbm4b:s3+s25], $0x40, s28, s25, $0xb8;
	[tilespmem:$0x19640] =	vst v63  }
0x7d: {  	s4 =	sadd.s32 $0x0, s19  }
0x7e: {  	[tilespmem:s25], [sflag:$0x2] =	stream.linear.gather [hbm4b:s4+s2], $0x190, $0x38;
	[tilespmem:$0x19640] =	vst v63  }
0x7f: {  	_ =	swait.ge [sflag:s10], $0x6400  }
0x80: {  	[sflag:s10] =	ssyncset.done $0x0  }
0x81: {  	[sflag:s10] =	ssyncadd.s32 $0xFFFF9C00  }
0x82: {  	[hbm4b:s23+s2] =	stream.linear.scatter [tilespmem:s6], [sflag:$0xB], $0x6400, $0x38;
	[tilespmem:$0x19640] =	vst v63  }
0x83: {  	_ =	swait.ge [sflag:s11], $0x6400  }
0x84: {  	[sflag:s11] =	ssyncset.done $0x0  }
0x85: {  	[sflag:s11] =	ssyncadd.s32 $0xFFFF9C00  }
0x86: {  	_ =	swait.ge [sflag:s29], $0x190  }
0x87: {  	[sflag:s29] =	ssyncset.done $0x0  }
0x88: {  	s20 =	rddreg [dreg:$0x4];
	[sflag:s29] =	ssyncadd.s32 $0xFFFFFE70  }
0x89: {  	[tilespmem:s30], [sflag:$0x5] =	stream.indirect.gather [hbm4b:s3+s25], $0x40, s2, s25, $0xb8;
	[tilespmem:$0x19640] =	vst v63  }
0x8a: {  	s4 =	sadd.s32 $0x0, s20  }
0x8b: {  	[tilespmem:s26], [sflag:$0x3] =	stream.linear.gather [hbm4b:s4+s2], $0x190, $0x38;
	[tilespmem:$0x19640] =	vst v63  }
0x8c: {  	_ =	swait.ge [sflag:s12], $0x6400  }
0x8d: {  	[sflag:s12] =	ssyncset.done $0x0  }
0x8e: {  	s20 =	rddreg [dreg:$0x18];
	[sflag:s12] =	ssyncadd.s32 $0xFFFF9C00  }
0x8f: {  	[hbm4b:s20+s2] =	stream.linear.scatter [tilespmem:s9], [sflag:$0xC], $0x6400, $0x38;
	[tilespmem:$0x19640] =	vst v63  }
0x90: {  	_ =	swait.ge [sflag:s13], $0x6400  }
0x91: {  	[sflag:s13] =	ssyncset.done $0x0  }
0x92: {  	s17 =	simm.s32 $0xC8;
	[sflag:s13] =	ssyncadd.s32 $0xFFFF9C00  }
0x93: {  	s18 =	sadd.s32 $0x3200, s23;
	s19 =	sadd.s32 $0x3200, s24;
	_ =	swait.ge [sflag:s31], $0x190  }
0x94: {  	s4 =	sadd.s32 $0x3200, s22;
	[sflag:s31] =	ssyncset.done $0x0;
	s21 =	rddreg [dreg:$0x3]  }
0x95: {  	s20 =	sadd.s32 $0x3200, s20;
	[sflag:s31] =	ssyncadd.s32 $0xFFFFFE70;
	s21 =	sadd.s32 $0x0, s21  }
0x96: {  	[tilespmem:s0], [sflag:$0x6] =	stream.indirect.gather [hbm4b:s3+s25], $0x40, s25, s25, $0xb8;
	[tilespmem:$0x19640] =	vst v63  }
.LBB2_2:
0x97: {  	[tilespmem:s28], [sflag:$0x4] =	stream.linear.gather [hbm4b:s21+s2], $0x190, $0x38;
	[tilespmem:$0x19640] =	vst v63  }
0x98: {  	_ =	swait.ge [sflag:s1], $0x6400  }
0x99: {  	[sflag:s1] =	ssyncset.done $0x0  }
0x9a: {  	[sflag:s1] =	ssyncadd.s32 $0xFFFF9C00  }
0x9b: {  	[hbm4b:s19+s2] =	stream.linear.scatter [tilespmem:s30], [sflag:$0x9], $0x6400, $0x38;
	[tilespmem:$0x19640] =	vst v63  }
0x9c: {  	_ =	swait.ge [sflag:s14], $0x6400  }
0x9d: {  	[sflag:s14] =	ssyncset.done $0x0  }
0x9e: {  	[sflag:s14] =	ssyncadd.s32 $0xFFFF9C00  }
0x9f: {  	_ =	swait.ge [sflag:s5], $0x190  }
0xa0: {  	[sflag:s5] =	ssyncset.done $0x0  }
0xa1: {  	s21 =	smov.u32 s17;
	s22 =	rddreg [dreg:$0x6];
	[sflag:s5] =	ssyncadd.s32 $0xFFFFFE70  }
0xa2: {  	[tilespmem:s6], [sflag:$0x7] =	stream.indirect.gather [hbm4b:s3+s25], $0x40, s26, s25, $0xb8;
	[tilespmem:$0x19640] =	vst v63  }
0xa3: {  	s22 =	sadd.s32 s21, s22  }
0xa4: {  	[tilespmem:s2], [sflag:$0x1] =	stream.linear.gather [hbm4b:s22+s2], $0x190, $0x38;
	[tilespmem:$0x19640] =	vst v63  }
0xa5: {  	_ =	swait.ge [sflag:s7], $0x6400  }
0xa6: {  	[sflag:s7] =	ssyncset.done $0x0  }
0xa7: {  	[sflag:s7] =	ssyncadd.s32 $0xFFFF9C00  }
0xa8: {  	[hbm4b:s4+s2] =	stream.linear.scatter [tilespmem:s0], [sflag:$0xA], $0x6400, $0x38;
	[tilespmem:$0x19640] =	vst v63  }
0xa9: {  	_ =	swait.ge [sflag:s15], $0x6400  }
0xaa: {  	[sflag:s15] =	ssyncset.done $0x0  }
0xab: {  	[sflag:s15] =	ssyncadd.s32 $0xFFFF9C00  }
0xac: {  	_ =	swait.ge [sflag:s8], $0x190  }
0xad: {  	[sflag:s8] =	ssyncset.done $0x0  }
0xae: {  	s22 =	rddreg [dreg:$0x5];
	[sflag:s8] =	ssyncadd.s32 $0xFFFFFE70  }
0xaf: {  	[tilespmem:s9], [sflag:$0x8] =	stream.indirect.gather [hbm4b:s3+s25], $0x40, s28, s25, $0xb8;
	[tilespmem:$0x19640] =	vst v63  }
0xb0: {  	s22 =	sadd.s32 s21, s22  }
0xb1: {  	[tilespmem:s25], [sflag:$0x2] =	stream.linear.gather [hbm4b:s22+s2], $0x190, $0x38;
	[tilespmem:$0x19640] =	vst v63  }
0xb2: {  	_ =	swait.ge [sflag:s10], $0x6400  }
0xb3: {  	[sflag:s10] =	ssyncset.done $0x0  }
0xb4: {  	[sflag:s10] =	ssyncadd.s32 $0xFFFF9C00  }
0xb5: {  	[hbm4b:s18+s2] =	stream.linear.scatter [tilespmem:s6], [sflag:$0xB], $0x6400, $0x38;
	[tilespmem:$0x19640] =	vst v63  }
0xb6: {  	_ =	swait.ge [sflag:s11], $0x6400  }
0xb7: {  	[sflag:s11] =	ssyncset.done $0x0  }
0xb8: {  	[sflag:s11] =	ssyncadd.s32 $0xFFFF9C00  }
0xb9: {  	_ =	swait.ge [sflag:s29], $0x190  }
0xba: {  	[sflag:s29] =	ssyncset.done $0x0  }
0xbb: {  	s22 =	rddreg [dreg:$0x4];
	[sflag:s29] =	ssyncadd.s32 $0xFFFFFE70  }
0xbc: {  	[tilespmem:s30], [sflag:$0x5] =	stream.indirect.gather [hbm4b:s3+s25], $0x40, s2, s25, $0xb8;
	[tilespmem:$0x19640] =	vst v63  }
0xbd: {  	s22 =	sadd.s32 s21, s22  }
0xbe: {  	[tilespmem:s26], [sflag:$0x3] =	stream.linear.gather [hbm4b:s22+s2], $0x190, $0x38;
	[tilespmem:$0x19640] =	vst v63  }
0xbf: {  	_ =	swait.ge [sflag:s12], $0x6400  }
0xc0: {  	[sflag:s12] =	ssyncset.done $0x0  }
0xc1: {  	[sflag:s12] =	ssyncadd.s32 $0xFFFF9C00  }
0xc2: {  	[hbm4b:s20+s2] =	stream.linear.scatter [tilespmem:s9], [sflag:$0xC], $0x6400, $0x38;
	[tilespmem:$0x19640] =	vst v63  }
0xc3: {  	_ =	swait.ge [sflag:s13], $0x6400  }
0xc4: {  	p0 =	sne.s32 s17, $0xA28;
	[sflag:s13] =	ssyncset.done $0x0  }
.Ltmp0:
0xc5: {  	s17 =	sadd.s32 $0xC8, s17;
	[sflag:s13] =	ssyncadd.s32 $0xFFFF9C00;
	(pc) =	sbr.rel @p0 .LBB2_2-.Ltmp0, $4  }
0xc6: {  	s19 =	sadd.s32 $0x3200, s19;
	s4 =	sadd.s32 $0x3200, s4;
	_ =	swait.ge [sflag:s31], $0x190  }
0xc7: {  	s18 =	sadd.s32 $0x3200, s18;
	[sflag:s31] =	ssyncset.done $0x0;
	s22 =	rddreg [dreg:$0x3]  }
0xc8: {  	s20 =	sadd.s32 $0x3200, s20;
	[sflag:s31] =	ssyncadd.s32 $0xFFFFFE70;
	s21 =	sadd.s32 s21, s22  }
0xc9: {  	[tilespmem:s0], [sflag:$0x6] =	stream.indirect.gather [hbm4b:s3+s25], $0x40, s25, s25, $0xb8;
	[tilespmem:$0x19640] =	vst v63  }
0xca: {  	[tilespmem:s28], [sflag:$0x4] =	stream.linear.gather [hbm4b:s21+s2], $0x190, $0x38;
	[tilespmem:$0x19640] =	vst v63  }
0xcb: {  	_ =	swait.ge [sflag:s1], $0x6400  }
0xcc: {  	[sflag:s1] =	ssyncset.done $0x0  }
0xcd: {  	s4 =	rddreg [dreg:$0x13];
	[sflag:s1] =	ssyncadd.s32 $0xFFFF9C00  }
0xce: {  	[hbm4b:s4+s2] =	stream.linear.scatter [tilespmem:s30], [sflag:$0x9], $0x6400, $0x38;
	[tilespmem:$0x19640] =	vst v63  }
0xcf: {  	_ =	swait.ge [sflag:s14], $0x6400  }
0xd0: {  	[sflag:s14] =	ssyncset.done $0x0  }
0xd1: {  	[sflag:s14] =	ssyncadd.s32 $0xFFFF9C00  }
0xd2: {  	_ =	swait.ge [sflag:s5], $0x190  }
0xd3: {  	[sflag:s5] =	ssyncset.done $0x0  }
0xd4: {  	[sflag:s5] =	ssyncadd.s32 $0xFFFFFE70  }
0xd5: {  	[tilespmem:s6], [sflag:$0x7] =	stream.indirect.gather [hbm4b:s3+s25], $0x40, s26, s25, $0xb8;
	[tilespmem:$0x19640] =	vst v63  }
0xd6: {  	_ =	swait.ge [sflag:s7], $0x6400  }
0xd7: {  	[sflag:s7] =	ssyncset.done $0x0  }
0xd8: {  	s19 =	rddreg [dreg:$0x14];
	[sflag:s7] =	ssyncadd.s32 $0xFFFF9C00  }
0xd9: {  	[hbm4b:s19+s2] =	stream.linear.scatter [tilespmem:s0], [sflag:$0xA], $0x6400, $0x38;
	[tilespmem:$0x19640] =	vst v63  }
0xda: {  	_ =	swait.ge [sflag:s15], $0x6400  }
0xdb: {  	[sflag:s15] =	ssyncset.done $0x0  }
0xdc: {  	[sflag:s15] =	ssyncadd.s32 $0xFFFF9C00  }
0xdd: {  	_ =	swait.ge [sflag:s8], $0x190  }
0xde: {  	[sflag:s8] =	ssyncset.done $0x0  }
0xdf: {  	[sflag:s8] =	ssyncadd.s32 $0xFFFFFE70  }
0xe0: {  	[tilespmem:s9], [sflag:$0x8] =	stream.indirect.gather [hbm4b:s3+s25], $0x40, s28, s25, $0xb8;
	[tilespmem:$0x19640] =	vst v63  }
0xe1: {  	_ =	swait.ge [sflag:s10], $0x6400  }
0xe2: {  	[sflag:s10] =	ssyncset.done $0x0  }
0xe3: {  	s20 =	rddreg [dreg:$0x15];
	[sflag:s10] =	ssyncadd.s32 $0xFFFF9C00  }
0xe4: {  	[hbm4b:s20+s2] =	stream.linear.scatter [tilespmem:s6], [sflag:$0xB], $0x6400, $0x38;
	[tilespmem:$0x19640] =	vst v63  }
0xe5: {  	_ =	swait.ge [sflag:s12], $0x6400  }
0xe6: {  	[sflag:s12] =	ssyncset.done $0x0  }
0xe7: {  	s21 =	rddreg [dreg:$0x16];
	[sflag:s12] =	ssyncadd.s32 $0xFFFF9C00  }
0xe8: {  	[hbm4b:s21+s2] =	stream.linear.scatter [tilespmem:s9], [sflag:$0xC], $0x6400, $0x38;
	[tilespmem:$0x19640] =	vst v63  }
0xe9: {  	_ =	swait.ge [sflag:s11], $0x6400  }
0xea: {  	[sflag:s11] =	ssyncset.done $0x0  }
0xeb: {  	[sflag:s11] =	ssyncadd.s32 $0xFFFF9C00  }
0xec: {  	_ =	swait.ge [sflag:s13], $0x6400  }
0xed: {  	[sflag:s13] =	ssyncset.done $0x0  }
0xee: {  	[sflag:s13] =	ssyncadd.s32 $0xFFFF9C00  }
0xef: {  	_ =	swait.ge [sflag:s14], $0x6400  }
0xf0: {  	[sflag:s14] =	ssyncset.done $0x0  }
0xf1: {  	[sflag:s14] =	ssyncadd.s32 $0xFFFF9C00  }
0xf2: {  	_ =	swait.ge [sflag:s15], $0x6400  }
0xf3: {  	s16 =	sadd.s32 $0x1, s16;
	s22 =	rddreg [dreg:$0x17]  }
0xf4: {  	p0 =	sne.s32 s16, s22  }
.Ltmp1:
0xf5: {  	_ = 	snop;
	(pc) =	sbr.rel @p0 .LBB2_1-.Ltmp1, $3  }
0xf6: {  	_ =	sdelay $0x1  }
0xf7: {  	[sflag:s15] =	ssyncset.done $0x0  }
0xf8: {  	[sflag:s15] =	ssyncadd.s32 $0xFFFF9C00  }
0xf9: {  	_ =	sfence.sel $0x180000  }
0xfa: {  	[bflag:$0x0] =	sbarrier.arrive $0xFFFF  }
0xfb: {  	_ =	strace $0x90000047  }
0xfc: {  	s0 =	stileid.u32;
	[bflag:$0x2] =	sbarrier.arrive $0xFFFF  }
0xfd: {  	p0 =	sne.s32 s0, $0x0;
	s0 =	rddreg [dreg:$0x2]  }
0xfe: {  	s0 =	sadd.s32 @!p0 $0x100000, s0  }
0xff: {  	[sflag:s0] =	ssyncadd.tile.s32 @!p0 $0x1;
	_ =	shalt  }
.Lfunc_end2:
_tile_overlayer_lowered:
.L_overlay_start_2:
0x100: {  	(tag) =	ssettag $0x2  }
0x101: {  	s0 =	rddreg [dreg:$0x0];
	s2 =	stileid.u32  }
0x102: {  	s1 =	rddreg [dreg:$0x1];
	p0 =	sne.s32 s2, $0x0  }
0x103: {  	s3 =	rddreg [dreg:$0x2];
	[bflag:$0x3] =	sbarrier.arrive $0xFFFF;
	s2 =	simm.s32 @!p0 $0x1C0D  }
0x104: {  	[timem:s3], [sflag:s2] =	dma.local @!p0 [hbm:s0], s1  }
0x105: {  	s0 =	simm.s32 @!p0 $0xD  }
0x106: {  	_ =	swait.ge @!p0 [sflag:s0], s1  }
0x107: {  	s1 =	ssub.s32 @!p0 $0x0, s1;
	[sflag:s0] =	ssyncset.done @!p0 $0x0  }
0x108: {  	[sflag:s0] =	ssyncadd.s32 @!p0 s1  }
0x109: {  	[bflag:$0x3] =	sbarrier.arrive $0xFFFF  }
0x10a: {  	_ =	shalt  }

// kernel: sparse-core-data-format-call.cloned.1.call-start
scs
called_computation_lowered:
.L_overlay_start_0:
0x0: {  	s2 =	sld [smem:$0x3FD9]  }
0x1: {  	s3 =	sld [smem:$0x3FFE];
	_ =	sdelay $0x1  }
0x2: {  	s1 =	srdreg.scid  }
0x3: {  	s0 =	sand.u32 $0x1, s1  }
0x4: {  	s18 =	sshll.u32 s0, $0xA;
	s2 =	sadd.s32 s3, s2  }
0x5: {  	s2 =	sadd.s32 s2, s18  }
0x6: {  	[smem:$0x3FC6] =	sst s2  }
0x7: {  	_ = 	snop  }
0x8: {  	s2 =	sld [smem:$0x3FD0];
	(tm) =	ssettm $0x1  }
0x9: {  	s19 =	sld [smem:$0x3FFB];
	_ =	sdelay $0x3  }
0xa: {  	_ =	strace s19  }
0xb: {  	s3 =	sld [smem:$0x3FFC];
	_ =	sdelay $0x3  }
0xc: {  	_ =	strace s3  }
0xd: {  	s3 =	sld [smem:$0x3FFD];
	_ =	sdelay $0x3  }
0xe: {  	_ =	strace s3  }
0xf: {  	_ =	strace $0x8FFFFFFF  }
0x10: {  	s20 =	sld [smem:$0x3FDB];
	_ =	sdelay $0x1  }
0x11: {  	s4 =	simm.s32 $_scs_section_size  }
0x12: {  	s5 =	simm.s32 $_size__tile_overlayer_lowered;
	s6 =	simm.s32 $_tile_overlayer_lowered  }
0x13: {  	s23 =	simm.s32 $0x1BFF;
	s22 =	sshll.u32 s6, $0x1;
	s3 =	sadd.s32 s4, s20  }
0x14: {  	s7 =	simm.s32 $0x0;
	s21 =	sshll.u32 s5, $0x1;
	s5 =	sadd.s32 s22, s3  }
0x15: {  	[timem:s7], [sflag:s23] =	dma.local [hbm:s5], s21  }
0x16: {  	_ =	swait.ge [sflag:s23], s21  }
0x17: {  	s4 =	ssub.s32 $0x0, s21;
	[sflag:s23] =	ssyncset.done $0x0  }
0x18: {  	[sflag:s23] =	ssyncadd.s32 s4;
	_ =	sdelay $0x1  }
0x19: {  	s24 =	simm.s32 $0x1B8B  }
0x1a: {  	_ =	swait.ge [sflag:s24], $0x1  }
0x1b: {  	[sflag:s24] =	ssyncset.done $0x0  }
0x1c: {  	s26 =	simm.s32 $0x1B8E;
	s25 =	sld [smem:$0x3FFE];
	[sflag:s24] =	ssyncadd.s32 $0xFFFFFFFF  }
0x1d: {  	s27 =	simm.s32 $execute0_lowered;
	[smem:$0x3FD2] =	sst s26  }
0x1e: {  	s5 =	sshll.u32 s27, $0x1;
	_ =	strace $0x80000049;
	[dreg:$0x1] =	wrdreg $0xFFFFFFFF  }
0x1f: {  	s28 =	simm.s32 $_size_execute0_lowered;
	s3 =	sadd.s32 s3, s5;
	[dreg:$0x0] =	wrdreg $0x0  }
0x20: {  	s5 =	sshll.u32 s28, $0x1;
	[dreg:$0x2] =	wrdreg s3  }
0x21: {  	[dreg:$0x3] =	wrdreg s5  }
0x22: {  	[dreg:$0x4] =	wrdreg $0xC0  }
0x23: {  	_ =	task [dreg:s7], $0x5FFFF  }
0x24: {  	[dreg:$0x1] =	wrdreg $0xFFFFFFFF  }
0x25: {  	[dreg:$0x0] =	wrdreg $0x60  }
0x26: {  	[dreg:$0x2] =	wrdreg s25  }
0x27: {  	[dreg:$0x3] =	wrdreg s2  }
0x28: {  	[dreg:$0x4] =	wrdreg $0x9  }
0x29: {  	_ =	task.clear_ibuf [dreg:s7], $0x5FFFF;
	_ =	strace $0x90000049  }
0x2a: {  	s29 =	simm.s32 $0x9;
	_ =	strace $0x8000004B  }
0x2b: {  	_ =	swait.ge [sflag:s29], $0x1  }
0x2c: {  	[sflag:s29] =	ssyncadd.s32 $0xFFFFFFFF  }
0x2d: {  	_ =	strace $0x9000004B  }
0x2e: {  	_ =	sfence  }
0x2f: {  	s30 =	sld [smem:$0x0];
	_ =	sdelay $0x2  }
0x30: {  	s31 =	sshll.u32 s1, $0xD;
	s1 =	sshrl.u32 s1, $0x2  }
0x31: {  	s3 =	sand.u32 $0x4000, s31;
	s1 =	sadd.s32 s1, s30  }
0x32: {  	s0 =	sor.u32 s3, s0;
	s1 =	sshll.u32 s1, $0x11  }
0x33: {  	s0 =	sor.u32 s1, s0  }
0x34: {  	s0 =	sadd.s32 $0x8F2B, s0  }
0x35: {  	[sflag:s0] =	ssyncadd.remote.s32 $0x1  }
0x36: {  	_ =	sfence.sel $0xFFFF  }
0x37: {  	[dreg:$0x0] =	wrdreg $0xFFFFFFFF;
	(pc) =	sbr.abs _section_cstart, $3  }
0x38: {  	[dreg:$0x1] =	wrdreg $0xFFFFFFFF  }
0x39: {  	_ =	task.clear_ibuf [dreg:s7], $0x2FFFF;
	_ =	strace $0x9FFFFFFF  }
0x3a: {  	(tm) =	ssettm $0x7FFFFFFF  }
0x3b: {  	_ =	shalt  }
tec
execute0_lowered:
.L_overlay_start_1:
0x0: {  	(tag) =	ssettag $0x1  }
0x1: {  	s0 =	srdreg.scid  }
0x2: {  	s1 =	sshll.u32 s0, $0x4  }
0x3: {  	s0 =	stileid.u32;
	s1 =	sand.u32 $0x10, s1  }
0x4: {  	s1 =	sor.u32 s0, s1  }
0x5: {  	s6 =	rddreg [dreg:$0x0];
	s4 =	simm.s32 $0x1;
	s2 =	sshll.u32 s1, $0x7  }
0x6: {  	s7 =	simm.s32 $0x2;
	s12 =	simm.s32 $0x0;
	s1 =	ssub.s32 $0x4000, s2  }
0x7: {  	s8 =	simm.s32 $0x20000;
	s13 =	simm.s32 $0x0;
	s3 =	sand.u32 $0xF80, s1  }
0x8: {  	s9 =	simm.s32 $0x0;
	s5 =	sshrl.u32 s1, $0xC;
	p0 =	sne.s32 s3, $0x0  }
.Ltmp0:
0x9: {  	s1 =	rddreg [dreg:$0x2];
	s4 =	simm.s32 @!p0 $0x0;
	(pc) =	sbr.rel .LBB1_1-.Ltmp0, $4  }
0xa: {  	s11 =	simm.s32 $0x0;
	s3 =	rddreg [dreg:$0x1];
	s5 =	sadd.s32 s4, s5  }
0xb: {  	_ =	strace $0x8000004A;
	s4 =	simm.s32 $0x1;
	s5 =	smul.u32 $0x32, s5  }
0xc: {  	s6 =	sadd.s32 $0xA00, s6;
	s10 =	smov.u32 s2;
	[sflag:s4] =	ssyncpa.u1 $0x0  }
0xd: {  	p0 =	por $0x0, $0x0;
	[sflag:s7] =	ssyncpa.u1 $0x0;
	s7 =	sor.u32 $0x1, s5  }
.LBB1_4:
0xe: {  	s16 =	sshll.u32 s13, $0x3;
	s17 =	sand.u32 $0x78, s13  }
0xf: {  	s30 =	sand.u32 $0x1F800, s13;
	s12 =	sshll.u32 s12, $0x11;
	s16 =	sand.u32 $0x3C00, s16  }
0x10: {  	[tilespmem:s15+$0x810 ss:$0x81] =	vst.msk $0xffff, v2;
	s31 =	sand.u32 $0x7, s13;
	s16 =	sor.u32 s17, s16;
	s17 =	sadd.s32 s3, s30  }
0x11: {  	[tilespmem:s15+$0x1020 ss:$0x81] =	vst.msk $0xffff, v0;
	s13 =	sshll.u32 s31, $0x12;
	s12 =	sadd.s32 s12, s17;
	s16 =	sshrl.u32 s16, $0x3  }
0x12: {  	[tilespmem:s15+$0x0 ss:$0x81] =	vst.msk $0xffff, v1;
	s13 =	sor.u32 $0x400, s13;
	s12 =	sadd.s32 s16, s12  }
0x13: {  	[hbm4b:s12+s13] =	stream.strided.scatter [tilespmem:s14], [sflag:$0x2], $0x2000, s8, s13, $0x20;
	[tilespmem:$0x8080] =	vst v63  }
.LBB1_5:
0x14: {  	s14 =	sadd.s32 $0x1, s9  }
0x15: {  	s12 =	sadd.s32 $0x1000, s10;
	s16 =	smov.u32 s10;
	p2 =	sgt.s32 s14, $0x31  }
0x16: {  	s16 =	smov.u32 @p2 s12  }
0x17: {  	s14 =	simm.s32 @p2 $0x0;
	p2 =	sgt.s32 s16, $0x3FFF  }
0x18: {  	s16 =	smov.u32 @p2 s2;
	p2 =	sne.s32 s11, s7  }
.Ltmp1:
0x19: {  	p1 =	slt.u32 s11, $0x2;
	(pc) =	sbr.rel @!p2 .LBB1_6-.Ltmp1, $4  }
0x1a: {  	s15 =	simm.s32 @!p1 $0x2  }
0x1b: {  	s13 =	smov.u32 s10;
	p0 =	por !p0, !p0;
	_ =	swait.ge @!p1 [sflag:s15], $0x2000  }
0x1c: {  	s12 =	smov.u32 s9;
	[sflag:s15] =	ssyncset.done @!p1 $0x0;
	s9 =	smov.u32 s14  }
0x1d: {  	s11 =	sadd.s32 $0x1, s11;
	[sflag:s15] =	ssyncadd.s32 @!p1 $0xFFFFE000;
	s10 =	smov.u32 s16  }
.LBB1_1:
0x1e: {  	p1 =	sge.u32 s11, s5  }
0x1f: {  	s14 =	sand.u32 @!p1 $0x1FFFFFF, s9  }
0x20: {  	s15 =	smulhi.u32 @!p1 $0x4924925, s14;
	_ =	sdelay $0x1  }
0x21: {  	s15 =	smul.u32 @!p1 $0x38, s15  }
0x22: {  	s16 =	sxor.u32 @!p1 $0xFFFFFFFF, s11;
	s17 =	smul.u32 @!p1 $0x380, s10  }
0x23: {  	s31 =	sadd.s32 $0xFFFFFFFF, s11;
	s16 =	sshll.u32 @!p1 s16, $0xD;
	s14 =	ssub.s32 @!p1 s14, s15  }
0x24: {  	s15 =	sand.u32 @!p1 $0x2000, s16;
	s16 =	sadd.s32 @!p1 s6, s17;
	s14 =	sshll.u32 @!p1 s14, $0x4  }
0x25: {  	s17 =	simm.s32 @!p1 $0x1C00;
	s14 =	sadd.s32 @!p1 s14, s16;
	s16 =	simm.s32 @!p1 $0x40  }
0x26: {  	[tilespmem:s15], [sflag:$0x1] =	stream.strided.gather @!p1 [hbm4b:s14+s16], $0x2000, s17, s16, $0x38;
	[tilespmem:$0x8080] =	vst v63  }
0x27: {  	p1 =	sge.u32 s31, s5  }
.Ltmp2:
0x28: {  	_ = 	snop;
	(pc) =	sbr.rel @p1 .LBB1_5-.Ltmp2, $1  }
0x29: {  	_ =	sdelay $0x3  }
0x2a: {  	s14 =	simm.s32 $0x1  }
0x2b: {  	_ =	swait.ge [sflag:s4], $0x2000;
	s14 =	simm.s32 @!p0 $0x0  }
0x2c: {  	[sflag:s4] =	ssyncset.done $0x0;
	s15 =	sshll.u32 s14, $0xD  }
0x2d: {  	[sflag:s4] =	ssyncadd.s32 $0xFFFFE000;
	s18 =	sor.u32 $0x20, s15  }
0x2e: {  	s14 =	smul.u32 $0x8100, s14;
	v3 =	vld [tilespmem:s18+$0x10]  }
0x2f: {  	s30 =	sand.u32 $0x1, s11;
	v2 =	vld [tilespmem:s18+$0xFFFFFFF0]  }
0x30: {  	s15 =	smul.u32 $0x8100, s30;
	s14 =	sshrl.u32 s14, $0x2;
	v0 =	vld [tilespmem:s18+$0x0]  }
0x31: {  	v1 =	vld [tilespmem:s18+$0xFFFFFFE0];
	s16 =	sor.u32 $0x4000, s14  }
0x32: {  	s31 =	sshrl.u32 s15, $0x2;
	s15 =	sadd.s32 $0x0, s16  }
0x33: {  	s17 =	simm.s32 $0x4;
	s18 =	sadd.s32 $0x40, s18;
	s14 =	sor.u32 $0x4000, s31;
	[tilespmem:s15+$0x1830 ss:$0x81] =	vst.msk $0xffff, v3  }
.LBB1_3:
0x34: {  	v3 =	vld [tilespmem:s18+$0x10];
	p1 =	sne.s32 s17, $0x1FC;
	[tilespmem:s15+$0x810 ss:$0x81] =	vst.msk $0xffff, v2;
	s19 =	smov.u32 s17;
	s17 =	sadd.s32 $0x4, s17  }
.Ltmp3:
0x35: {  	v2 =	vld [tilespmem:s18+$0xFFFFFFF0];
	[tilespmem:s15+$0x1020 ss:$0x81] =	vst.msk $0xffff, v0;
	(pc) =	sbr.rel @p1 .LBB1_3-.Ltmp3, $4  }
0x36: {  	v0 =	vld [tilespmem:s18+$0x0];
	[tilespmem:s15+$0x0 ss:$0x81] =	vst.msk $0xffff, v1  }
0x37: {  	s15 =	sshra.s32 s19, $0x2;
	v1 =	vld [tilespmem:s18+$0xFFFFFFE0]  }
0x38: {  	s15 =	sadd.s32 s15, s16  }
0x39: {  	s18 =	sadd.s32 $0x40, s18;
	[tilespmem:s15+$0x1830 ss:$0x81] =	vst.msk $0xffff, v3  }
.Ltmp4:
0x3a: {  	_ = 	snop;
	(pc) =	sbr.rel .LBB1_4-.Ltmp4, $1  }
0x3b: {  	_ =	sdelay $0x3  }
.LBB1_6:
0x3c: {  	_ =	sfence.sel $0x180000  }
0x3d: {  	s2 =	simm.s32 $0x1;
	[bflag:$0x0] =	sbarrier.arrive $0xFFFF  }
0x3e: {  	s31 =	simm.s32 $0x2;
	[sflag:s2] =	ssyncpa.u1 $0x1  }
0x3f: {  	[sflag:s31] =	ssyncpa.u1 $0x1  }
0x40: {  	p0 =	sne.s32 s0, $0x0;
	_ =	strace $0x9000004A  }
0x41: {  	s0 =	sadd.s32 @!p0 $0x100000, s1;
	[bflag:$0x2] =	sbarrier.arrive $0xFFFF  }
0x42: {  	[sflag:s0] =	ssyncadd.tile.s32 @!p0 $0x1;
	_ =	shalt  }
.Lfunc_end1:
_tile_overlayer_lowered:
.L_overlay_start_2:
0x43: {  	(tag) =	ssettag $0x2  }
0x44: {  	s0 =	rddreg [dreg:$0x0];
	s2 =	stileid.u32  }
0x45: {  	s1 =	rddreg [dreg:$0x1];
	p0 =	sne.s32 s2, $0x0  }
0x46: {  	s3 =	rddreg [dreg:$0x2];
	[bflag:$0x3] =	sbarrier.arrive $0xFFFF;
	s2 =	simm.s32 @!p0 $0x1C01  }
0x47: {  	[timem:s3], [sflag:s2] =	dma.local @!p0 [hbm:s0], s1  }
0x48: {  	s0 =	simm.s32 @!p0 $0x1  }
0x49: {  	_ =	swait.ge @!p0 [sflag:s0], s1  }
0x4a: {  	s1 =	ssub.s32 @!p0 $0x0, s1;
	[sflag:s0] =	ssyncset.done @!p0 $0x0  }
0x4b: {  	[sflag:s0] =	ssyncadd.s32 @!p0 s1  }
0x4c: {  	[bflag:$0x3] =	sbarrier.arrive $0xFFFF  }
0x4d: {  	_ =	shalt  }

</sc_bundles>
